<compile_context>
chip_gen: v7x
topology: tpu7x:2x2x1
jax: 0.10.2.dev20260603
libtpu: 0.0.44.dev20260713+nightly
codegen_flags: <defaults>
</compile_context>

<pallas_src>
import functools

import jax
import jax.numpy as jnp
from jax import lax
from jax.experimental import pallas as pl
from jax.experimental.pallas import tpu as pltpu
from jax.experimental.pallas import tpu_sc as plsc

EMB = 128
SEQ = 200
C0, C1 = 128, 72
HB = 8
QK = 4 * HB
G = 2


def _gather_body(ts_hbm, table_hbm, out_hbm, table_sp, idx_a, idx_b,
                 pb0, pb1, g0, g1, g2, g3, s0, s1,
                 sem_ia, sem_ib, *, nc, steps_per_w):
    sid = lax.axis_index("s")
    wid = sid * nc + lax.axis_index("c")
    row0 = wid * steps_per_w * (2 * HB)
    pairs = (pb0, pb1)
    gsems = (g0, g1, g2, g3)
    ssems = (s0, s1)

    pl.when(sid == 0)(lambda: pltpu.sync_copy(table_hbm, table_sp))
    plsc.subcore_barrier()

    def slot_ref(q):
        pb = pairs[(q // 2) % 2]
        if q % 2 == 0:
            return pb.at[pl.ds(0, C0)]
        return pb.at[pl.ds(C0, C1)]

    def drain_store(p):
        pltpu.make_async_copy(pairs[p], out_hbm.at[pl.ds(0, SEQ)],
                              ssems[p]).wait()

    def idx_ref(q):
        q = q % QK
        buf, lrow = (idx_a, (q // 2) % HB) if (q // 2) % (2 * HB) < HB else \
                    (idx_b, (q // 2) % HB)
        if q % 2 == 0:
            return buf.at[lrow, pl.ds(0, C0)]
        return buf.at[lrow, pl.ds(C0, C1)]

    def fire_gather(q):
        pltpu.async_copy(table_sp.at[idx_ref(q)], slot_ref(q), gsems[q % 4])

    def wait_gather(q):
        pltpu.make_async_copy(table_sp.at[idx_a.at[0, pl.ds(0, C0 if q % 2 == 0
                                                            else C1)]],
                              slot_ref(q), gsems[q % 4]).wait()

    def drain_idx(buf, sem):
        pltpu.make_async_copy(ts_hbm.at[pl.ds(0, HB)], buf, sem).wait()

    pltpu.sync_copy(ts_hbm.at[pl.ds(row0, HB)], idx_a)
    for j in range(G):
        fire_gather(j)

    def step(t, carry):
        r = row0 + t * 2 * HB
        for j in range(QK):
            if j == 0:
                pltpu.async_copy(ts_hbm.at[pl.ds(r + HB, HB)], idx_b, sem_ib)
            elif j == 2 * HB - G - 1:
                drain_idx(idx_b, sem_ib)
            elif j == 2 * HB:
                nxt = jnp.minimum(t + 1, steps_per_w - 1)
                pltpu.async_copy(ts_hbm.at[pl.ds(row0 + nxt * 2 * HB, HB)],
                                 idx_a, sem_ia)
            elif j == QK - G - 1:
                drain_idx(idx_a, sem_ia)
            if (j + G) % 2 == 0:
                p = ((j + G) // 2) % 2
                if j < G:
                    pl.when(t > 0)(lambda p=p: drain_store(p))
                else:
                    drain_store(p)
            fire_gather(j + G)
            wait_gather(j)
            if j % 2 == 1:
                p = (j // 2) % 2
                off = (r + j // 2) * SEQ
                pltpu.async_copy(pairs[p], out_hbm.at[pl.ds(off, SEQ)],
                                 ssems[p])
        return carry

    lax.fori_loop(0, steps_per_w, step, 0)
    for j in range(G):
        wait_gather(j)
    drain_store(((QK - 1) // 2) % 2)


def kernel(timestamps, table):
    n, s = timestamps.shape
    assert s == SEQ
    b = n * s

    info = plsc.get_sparse_core_info()
    nc, ns = info.num_cores, info.num_subcores
    nw = nc * ns
    assert n % (nw * 2 * HB) == 0
    steps_per_w = n // (nw * 2 * HB)

    mesh = plsc.VectorSubcoreMesh(core_axis_name="c", subcore_axis_name="s")
    out = pl.kernel(
        functools.partial(_gather_body, nc=nc, steps_per_w=steps_per_w),
        out_type=jax.ShapeDtypeStruct((b, EMB), jnp.float32),
        mesh=mesh,
        scratch_types=[pltpu.VMEM_SHARED(table.shape, jnp.float32),
                       pltpu.VMEM((HB, SEQ), jnp.int32),
                       pltpu.VMEM((HB, SEQ), jnp.int32),
                       pltpu.VMEM((SEQ, EMB), jnp.float32),
                       pltpu.VMEM((SEQ, EMB), jnp.float32)]
        + [pltpu.SemaphoreType.DMA for _ in range(8)],
    )(timestamps.astype(jnp.int32), table)
    return out.reshape(n, s, EMB)

# --- scband reference (transcript-rebuilt; emitter-appended) ---
"""Pipeline reference for scband-rel-temporal-encoding-54443005444563 (READ-ONLY COPY).

The authoritative reference and input builder live on the scoring server;
editing this copy changes nothing except your own understanding.
"""

import jax, jax.numpy as jnp
import numpy as np
import math

EMBEDDING_SIZE = 128
MAX_LEN = 5000

def _build_table():
    position = jnp.arange(0.0, MAX_LEN, dtype=jnp.float32)[:, None]
    div_term = jnp.exp(jnp.arange(0, EMBEDDING_SIZE, 2, dtype=jnp.float32) * -(math.log(10000.0) / EMBEDDING_SIZE))
    table = jnp.zeros((MAX_LEN, EMBEDDING_SIZE), dtype=jnp.float32)
    table = table.at[:, 0::2].set(jnp.sin(position * div_term))
    table = table.at[:, 1::2].set(jnp.cos(position * div_term))
    return table

def setup_inputs(seed: int = 0) -> dict:
    key = jax.random.key(seed)
    timestamps = jax.random.randint(key, (16384, 200), 0, MAX_LEN, dtype=jnp.int64 if jax.config.jax_enable_x64 else jnp.int32)
    table = _build_table()
    return {"timestamps": timestamps, "table": table}

def reference(timestamps, table):
    # nn.Embedding lookup -> row gather from table
    timestamps_emb = jnp.take(table, timestamps, axis=0)
    return timestamps_emb

if __name__ == "__main__":
    import jax
    _d = setup_inputs()
    print(jax.jit(kernel)(*tuple(_d.values())))

</pallas_src>

<mosaic_0001>
#map = affine_map<(d0, d1) -> (0, 0)>
module attributes {stable_mosaic.version = 14 : i64} {
  func.func @_gather_body(%arg0: i32, %arg1: i32, %arg2: memref<16384x200xi32, #tpu.memory_space<hbm>>, %arg3: memref<5000x128xf32, #tpu.memory_space<hbm>>, %arg4: memref<3276800x128xf32, #tpu.memory_space<hbm>>, %arg5: memref<5000x128xf32, #tpu.memory_space<vmem_shared>>, %arg6: memref<8x200xi32, #tpu.memory_space<vmem>>, %arg7: memref<8x200xi32, #tpu.memory_space<vmem>>, %arg8: memref<200x128xf32, #tpu.memory_space<vmem>>, %arg9: memref<200x128xf32, #tpu.memory_space<vmem>>, %arg10: memref<!tpu.dma_semaphore, #tpu.memory_space<semaphore_mem>>, %arg11: memref<!tpu.dma_semaphore, #tpu.memory_space<semaphore_mem>>, %arg12: memref<!tpu.dma_semaphore, #tpu.memory_space<semaphore_mem>>, %arg13: memref<!tpu.dma_semaphore, #tpu.memory_space<semaphore_mem>>, %arg14: memref<!tpu.dma_semaphore, #tpu.memory_space<semaphore_mem>>, %arg15: memref<!tpu.dma_semaphore, #tpu.memory_space<semaphore_mem>>, %arg16: memref<!tpu.dma_semaphore, #tpu.memory_space<semaphore_mem>>, %arg17: memref<!tpu.dma_semaphore, #tpu.memory_space<semaphore_mem>>) attributes {dimension_semantics = [#tpu.dimension_semantics<core_parallel>, #tpu.dimension_semantics<subcore_parallel>], iteration_bounds = array<i64: 2, 16>, scalar_prefetch = 0 : i64, scratch_operands = 13 : i64, tpu.core_type = #tpu.core_type<sc_vector_subcore>, window_params = [{transform_indices = #map}, {transform_indices = #map}, {transform_indices = #map}]} {
    %mul3A = arith.constant 2 : i32
    %mul3A_0 = arith.muli %arg1, %mul3A : i32
    %add3A = arith.addi %mul3A_0, %arg0 : i32
    %mul3A_1 = arith.constant 32 : i32
    %mul3A_2 = arith.muli %add3A, %mul3A_1 : i32
    %mul3A_3 = arith.constant 16 : i32
    %mul3A_4 = arith.muli %mul3A_2, %mul3A_3 : i32
    %eq3A = arith.constant 0 : i32
    %eq3A_5 = arith.cmpi eq, %arg1, %eq3A : i32
    %convert_element_type3A = arith.extui %eq3A_5 : i1 to i32
    %cond3A = arith.constant 0 : i32
    %cond3A_6 = arith.cmpi ne, %convert_element_type3A, %cond3A : i32
    scf.if %cond3A_6 {
      "tpu.region"() ({
        %run_scoped3A = tpu.sem_alloc : memref<!tpu.dma_semaphore, #tpu.memory_space<semaphore_mem>>
        tpu.enqueue_dma source(%arg3 : memref<5000x128xf32, #tpu.memory_space<hbm>>) target(%arg5 : memref<5000x128xf32, #tpu.memory_space<vmem_shared>>) target_semaphore(%run_scoped3A : memref<!tpu.dma_semaphore, #tpu.memory_space<semaphore_mem>>)
        tpu.wait_dma2 semaphore(%run_scoped3A : memref<!tpu.dma_semaphore, #tpu.memory_space<semaphore_mem>>) src(%arg3 : memref<5000x128xf32, #tpu.memory_space<hbm>>) dst(%arg5 : memref<5000x128xf32, #tpu.memory_space<vmem_shared>>)
        tpu.yield
      }) : () -> ()
    } else {
    }
    %barrier3A = arith.constant 0 : index
    tpu.barrier barrier_id(%barrier3A)
    "tpu.region"() ({
      %run_scoped3A = tpu.sem_alloc : memref<!tpu.dma_semaphore, #tpu.memory_space<semaphore_mem>>
      %dma_start3A_56 = arith.constant 0 : i32
      %dma_start3A_57 = tpu.memref_slice %arg2[%mul3A_4, %dma_start3A_56] : memref<16384x200xi32, #tpu.memory_space<hbm>> -> memref<8x200xi32, #tpu.memory_space<hbm>>
      %dma_start3A_58 = arith.constant 0 : i32
      %dma_start3A_59 = tpu.memref_slice %arg2[%mul3A_4, %dma_start3A_58] : memref<16384x200xi32, #tpu.memory_space<hbm>> -> memref<8x200xi32, #tpu.memory_space<hbm>>
      tpu.enqueue_dma source(%dma_start3A_59 : memref<8x200xi32, #tpu.memory_space<hbm>>) target(%arg6 : memref<8x200xi32, #tpu.memory_space<vmem>>) target_semaphore(%run_scoped3A : memref<!tpu.dma_semaphore, #tpu.memory_space<semaphore_mem>>)
      %dma_wait3A_60 = arith.constant 0 : i32
      %dma_wait3A_61 = tpu.memref_slice %arg2[%mul3A_4, %dma_wait3A_60] : memref<16384x200xi32, #tpu.memory_space<hbm>> -> memref<8x200xi32, #tpu.memory_space<hbm>>
      %dma_wait3A_62 = arith.constant 0 : i32
      %dma_wait3A_63 = tpu.memref_slice %arg2[%mul3A_4, %dma_wait3A_62] : memref<16384x200xi32, #tpu.memory_space<hbm>> -> memref<8x200xi32, #tpu.memory_space<hbm>>
      tpu.wait_dma2 semaphore(%run_scoped3A : memref<!tpu.dma_semaphore, #tpu.memory_space<semaphore_mem>>) src(%dma_wait3A_63 : memref<8x200xi32, #tpu.memory_space<hbm>>) dst(%arg6 : memref<8x200xi32, #tpu.memory_space<vmem>>)
      tpu.yield
    }) : () -> ()
    %dma_start3A = arith.constant 0 : i32
    %dma_start3A_7 = arith.constant 0 : i32
    %dma_start3A_8 = arith.constant 0 : i32
    %dma_start3A_9 = tpu.memref_slice %arg8[%dma_start3A_7, %dma_start3A_8] : memref<200x128xf32, #tpu.memory_space<vmem>> -> memref<128x128xf32, #tpu.memory_space<vmem>>
    %dma_start3A_10 = arith.constant 0 : i32
    %dma_start3A_11 = tpu.memref_slice %arg6[%dma_start3A, %dma_start3A_10] : memref<8x200xi32, #tpu.memory_space<vmem>> -> memref<1x128xi32, #tpu.memory_space<vmem>>
    %dma_start3A_12 = tpu.memref_squeeze %dma_start3A_11 : memref<1x128xi32, #tpu.memory_space<vmem>> -> memref<128xi32, #tpu.memory_space<vmem>>
    %dma_start3A_13 = arith.constant 0 : i32
    %dma_start3A_14 = arith.constant 0 : i32
    %dma_start3A_15 = tpu.memref_slice %arg5[%dma_start3A_13, %dma_start3A_14] : memref<5000x128xf32, #tpu.memory_space<vmem_shared>> -> memref<5000x128xf32, #tpu.memory_space<vmem_shared>>
    tpu.enqueue_indirect_dma source(%dma_start3A_15 : memref<5000x128xf32, #tpu.memory_space<vmem_shared>>) target(%dma_start3A_9 : memref<128x128xf32, #tpu.memory_space<vmem>>) offsets(%dma_start3A_12 : memref<128xi32, #tpu.memory_space<vmem>>) semaphore(%arg10 : memref<!tpu.dma_semaphore, #tpu.memory_space<semaphore_mem>>)
    %dma_start3A_16 = arith.constant 0 : i32
    %dma_start3A_17 = arith.constant 128 : i32
    %dma_start3A_18 = arith.constant 0 : i32
    %dma_start3A_19 = tpu.memref_slice %arg8[%dma_start3A_17, %dma_start3A_18] : memref<200x128xf32, #tpu.memory_space<vmem>> -> memref<72x128xf32, #tpu.memory_space<vmem>>
    %dma_start3A_20 = arith.constant 128 : i32
    %dma_start3A_21 = tpu.memref_slice %arg6[%dma_start3A_16, %dma_start3A_20] : memref<8x200xi32, #tpu.memory_space<vmem>> -> memref<1x72xi32, #tpu.memory_space<vmem>>
    %dma_start3A_22 = tpu.memref_squeeze %dma_start3A_21 : memref<1x72xi32, #tpu.memory_space<vmem>> -> memref<72xi32, #tpu.memory_space<vmem>>
    %dma_start3A_23 = arith.constant 0 : i32
    %dma_start3A_24 = arith.constant 0 : i32
    %dma_start3A_25 = tpu.memref_slice %arg5[%dma_start3A_23, %dma_start3A_24] : memref<5000x128xf32, #tpu.memory_space<vmem_shared>> -> memref<5000x128xf32, #tpu.memory_space<vmem_shared>>
    tpu.enqueue_indirect_dma source(%dma_start3A_25 : memref<5000x128xf32, #tpu.memory_space<vmem_shared>>) target(%dma_start3A_19 : memref<72x128xf32, #tpu.memory_space<vmem>>) offsets(%dma_start3A_22 : memref<72xi32, #tpu.memory_space<vmem>>) semaphore(%arg11 : memref<!tpu.dma_semaphore, #tpu.memory_space<semaphore_mem>>)
    %scan3A = arith.constant 0 : i32
    %scan3A_26 = arith.constant 0 : i32
    %scan3A_27 = arith.constant 32 : i32
    %scan3A_28 = arith.addi %scan3A_26, %scan3A_27 : i32
    %scan3A_29 = arith.constant 1 : i32
    scf.for %scan3A_56 = %scan3A_26 to %scan3A_28 step %scan3A_29  : i32 {
      %mul3A_57 = arith.constant 2 : i32
      %mul3A_58 = arith.muli %scan3A_56, %mul3A_57 : i32
      %mul3A_59 = arith.constant 8 : i32
      %mul3A_60 = arith.muli %mul3A_58, %mul3A_59 : i32
      %add3A_61 = arith.addi %mul3A_4, %mul3A_60 : i32
      %add3A_62 = arith.constant 8 : i32
      %add3A_63 = arith.addi %add3A_61, %add3A_62 : i32
      %dma_start3A_64 = arith.constant 0 : i32
      %dma_start3A_65 = tpu.memref_slice %arg2[%add3A_63, %dma_start3A_64] : memref<16384x200xi32, #tpu.memory_space<hbm>> -> memref<8x200xi32, #tpu.memory_space<hbm>>
      %dma_start3A_66 = arith.constant 0 : i32
      %dma_start3A_67 = tpu.memref_slice %arg2[%add3A_63, %dma_start3A_66] : memref<16384x200xi32, #tpu.memory_space<hbm>> -> memref<8x200xi32, #tpu.memory_space<hbm>>
      tpu.enqueue_dma source(%dma_start3A_67 : memref<8x200xi32, #tpu.memory_space<hbm>>) target(%arg7 : memref<8x200xi32, #tpu.memory_space<vmem>>) target_semaphore(%arg17 : memref<!tpu.dma_semaphore, #tpu.memory_space<semaphore_mem>>)
      %gt3A = arith.constant 0 : i32
      %gt3A_68 = arith.cmpi sgt, %scan3A_56, %gt3A : i32
      %convert_element_type3A_69 = arith.extui %gt3A_68 : i1 to i32
      %cond3A_70 = arith.constant 0 : i32
      %cond3A_71 = arith.cmpi ne, %convert_element_type3A_69, %cond3A_70 : i32
      scf.if %cond3A_71 {
        %dma_wait3A_954 = arith.constant 0 : i32
        %dma_wait3A_955 = arith.constant 0 : i32
        %dma_wait3A_956 = tpu.memref_slice %arg4[%dma_wait3A_954, %dma_wait3A_955] : memref<3276800x128xf32, #tpu.memory_space<hbm>> -> memref<200x128xf32, #tpu.memory_space<hbm>>
        %dma_wait3A_957 = arith.constant 0 : i32
        %dma_wait3A_958 = arith.constant 0 : i32
        %dma_wait3A_959 = tpu.memref_slice %arg4[%dma_wait3A_957, %dma_wait3A_958] : memref<3276800x128xf32, #tpu.memory_space<hbm>> -> memref<200x128xf32, #tpu.memory_space<hbm>>
        tpu.wait_dma2 semaphore(%arg15 : memref<!tpu.dma_semaphore, #tpu.memory_space<semaphore_mem>>) src(%arg9 : memref<200x128xf32, #tpu.memory_space<vmem>>) dst(%dma_wait3A_959 : memref<200x128xf32, #tpu.memory_space<hbm>>)
      } else {
      }
      %dma_start3A_72 = arith.constant 1 : i32
      %dma_start3A_73 = arith.constant 0 : i32
      %dma_start3A_74 = arith.constant 0 : i32
      %dma_start3A_75 = tpu.memref_slice %arg9[%dma_start3A_73, %dma_start3A_74] : memref<200x128xf32, #tpu.memory_space<vmem>> -> memref<128x128xf32, #tpu.memory_space<vmem>>
      %dma_start3A_76 = arith.constant 0 : i32
      %dma_start3A_77 = tpu.memref_slice %arg6[%dma_start3A_72, %dma_start3A_76] : memref<8x200xi32, #tpu.memory_space<vmem>> -> memref<1x128xi32, #tpu.memory_space<vmem>>
      %dma_start3A_78 = tpu.memref_squeeze %dma_start3A_77 : memref<1x128xi32, #tpu.memory_space<vmem>> -> memref<128xi32, #tpu.memory_space<vmem>>
      %dma_start3A_79 = arith.constant 0 : i32
      %dma_start3A_80 = arith.constant 0 : i32
      %dma_start3A_81 = tpu.memref_slice %arg5[%dma_start3A_79, %dma_start3A_80] : memref<5000x128xf32, #tpu.memory_space<vmem_shared>> -> memref<5000x128xf32, #tpu.memory_space<vmem_shared>>
      tpu.enqueue_indirect_dma source(%dma_start3A_81 : memref<5000x128xf32, #tpu.memory_space<vmem_shared>>) target(%dma_start3A_75 : memref<128x128xf32, #tpu.memory_space<vmem>>) offsets(%dma_start3A_78 : memref<128xi32, #tpu.memory_space<vmem>>) semaphore(%arg12 : memref<!tpu.dma_semaphore, #tpu.memory_space<semaphore_mem>>)
      %dma_wait3A_82 = arith.constant 0 : i32
      %dma_wait3A_83 = arith.constant 0 : i32
      %dma_wait3A_84 = arith.constant 0 : i32
      %dma_wait3A_85 = tpu.memref_slice %arg8[%dma_wait3A_83, %dma_wait3A_84] : memref<200x128xf32, #tpu.memory_space<vmem>> -> memref<128x128xf32, #tpu.memory_space<vmem>>
      %dma_wait3A_86 = arith.constant 0 : i32
      %dma_wait3A_87 = tpu.memref_slice %arg6[%dma_wait3A_82, %dma_wait3A_86] : memref<8x200xi32, #tpu.memory_space<vmem>> -> memref<1x128xi32, #tpu.memory_space<vmem>>
      %dma_wait3A_88 = tpu.memref_squeeze %dma_wait3A_87 : memref<1x128xi32, #tpu.memory_space<vmem>> -> memref<128xi32, #tpu.memory_space<vmem>>
      %dma_wait3A_89 = arith.constant 0 : i32
      %dma_wait3A_90 = arith.constant 0 : i32
      %dma_wait3A_91 = tpu.memref_slice %arg5[%dma_wait3A_89, %dma_wait3A_90] : memref<5000x128xf32, #tpu.memory_space<vmem_shared>> -> memref<5000x128xf32, #tpu.memory_space<vmem_shared>>
      tpu.wait_indirect_dma semaphore(%arg10 : memref<!tpu.dma_semaphore, #tpu.memory_space<semaphore_mem>>) src(%dma_wait3A_91 : memref<5000x128xf32, #tpu.memory_space<vmem_shared>>) dst(%dma_wait3A_85 : memref<128x128xf32, #tpu.memory_space<vmem>>)
      %dma_start3A_92 = arith.constant 1 : i32
      %dma_start3A_93 = arith.constant 128 : i32
      %dma_start3A_94 = arith.constant 0 : i32
      %dma_start3A_95 = tpu.memref_slice %arg9[%dma_start3A_93, %dma_start3A_94] : memref<200x128xf32, #tpu.memory_space<vmem>> -> memref<72x128xf32, #tpu.memory_space<vmem>>
      %dma_start3A_96 = arith.constant 128 : i32
      %dma_start3A_97 = tpu.memref_slice %arg6[%dma_start3A_92, %dma_start3A_96] : memref<8x200xi32, #tpu.memory_space<vmem>> -> memref<1x72xi32, #tpu.memory_space<vmem>>
      %dma_start3A_98 = tpu.memref_squeeze %dma_start3A_97 : memref<1x72xi32, #tpu.memory_space<vmem>> -> memref<72xi32, #tpu.memory_space<vmem>>
      %dma_start3A_99 = arith.constant 0 : i32
      %dma_start3A_100 = arith.constant 0 : i32
      %dma_start3A_101 = tpu.memref_slice %arg5[%dma_start3A_99, %dma_start3A_100] : memref<5000x128xf32, #tpu.memory_space<vmem_shared>> -> memref<5000x128xf32, #tpu.memory_space<vmem_shared>>
      tpu.enqueue_indirect_dma source(%dma_start3A_101 : memref<5000x128xf32, #tpu.memory_space<vmem_shared>>) target(%dma_start3A_95 : memref<72x128xf32, #tpu.memory_space<vmem>>) offsets(%dma_start3A_98 : memref<72xi32, #tpu.memory_space<vmem>>) semaphore(%arg13 : memref<!tpu.dma_semaphore, #tpu.memory_space<semaphore_mem>>)
      %dma_wait3A_102 = arith.constant 0 : i32
      %dma_wait3A_103 = arith.constant 128 : i32
      %dma_wait3A_104 = arith.constant 0 : i32
      %dma_wait3A_105 = tpu.memref_slice %arg8[%dma_wait3A_103, %dma_wait3A_104] : memref<200x128xf32, #tpu.memory_space<vmem>> -> memref<72x128xf32, #tpu.memory_space<vmem>>
      %dma_wait3A_106 = arith.constant 0 : i32
      %dma_wait3A_107 = tpu.memref_slice %arg6[%dma_wait3A_102, %dma_wait3A_106] : memref<8x200xi32, #tpu.memory_space<vmem>> -> memref<1x72xi32, #tpu.memory_space<vmem>>
      %dma_wait3A_108 = tpu.memref_squeeze %dma_wait3A_107 : memref<1x72xi32, #tpu.memory_space<vmem>> -> memref<72xi32, #tpu.memory_space<vmem>>
      %dma_wait3A_109 = arith.constant 0 : i32
      %dma_wait3A_110 = arith.constant 0 : i32
      %dma_wait3A_111 = tpu.memref_slice %arg5[%dma_wait3A_109, %dma_wait3A_110] : memref<5000x128xf32, #tpu.memory_space<vmem_shared>> -> memref<5000x128xf32, #tpu.memory_space<vmem_shared>>
      tpu.wait_indirect_dma semaphore(%arg11 : memref<!tpu.dma_semaphore, #tpu.memory_space<semaphore_mem>>) src(%dma_wait3A_111 : memref<5000x128xf32, #tpu.memory_space<vmem_shared>>) dst(%dma_wait3A_105 : memref<72x128xf32, #tpu.memory_space<vmem>>)
      %add3A_112 = arith.constant 0 : i32
      %add3A_113 = arith.addi %add3A_61, %add3A_112 : i32
      %mul3A_114 = arith.constant 200 : i32
      %mul3A_115 = arith.muli %add3A_113, %mul3A_114 : i32
      %dma_start3A_116 = arith.constant 0 : i32
      %dma_start3A_117 = tpu.memref_slice %arg4[%mul3A_115, %dma_start3A_116] : memref<3276800x128xf32, #tpu.memory_space<hbm>> -> memref<200x128xf32, #tpu.memory_space<hbm>>
      %dma_start3A_118 = arith.constant 0 : i32
      %dma_start3A_119 = tpu.memref_slice %arg4[%mul3A_115, %dma_start3A_118] : memref<3276800x128xf32, #tpu.memory_space<hbm>> -> memref<200x128xf32, #tpu.memory_space<hbm>>
      tpu.enqueue_dma source(%arg8 : memref<200x128xf32, #tpu.memory_space<vmem>>) target(%dma_start3A_119 : memref<200x128xf32, #tpu.memory_space<hbm>>) target_semaphore(%arg14 : memref<!tpu.dma_semaphore, #tpu.memory_space<semaphore_mem>>)
      %dma_wait3A_120 = arith.constant 0 : i32
      %dma_wait3A_121 = arith.constant 0 : i32
      %dma_wait3A_122 = tpu.memref_slice %arg4[%dma_wait3A_120, %dma_wait3A_121] : memref<3276800x128xf32, #tpu.memory_space<hbm>> -> memref<200x128xf32, #tpu.memory_space<hbm>>
      %dma_wait3A_123 = arith.constant 0 : i32
      %dma_wait3A_124 = arith.constant 0 : i32
      %dma_wait3A_125 = tpu.memref_slice %arg4[%dma_wait3A_123, %dma_wait3A_124] : memref<3276800x128xf32, #tpu.memory_space<hbm>> -> memref<200x128xf32, #tpu.memory_space<hbm>>
      tpu.wait_dma2 semaphore(%arg14 : memref<!tpu.dma_semaphore, #tpu.memory_space<semaphore_mem>>) src(%arg8 : memref<200x128xf32, #tpu.memory_space<vmem>>) dst(%dma_wait3A_125 : memref<200x128xf32, #tpu.memory_space<hbm>>)
      %dma_start3A_126 = arith.constant 2 : i32
      %dma_start3A_127 = arith.constant 0 : i32
      %dma_start3A_128 = arith.constant 0 : i32
      %dma_start3A_129 = tpu.memref_slice %arg8[%dma_start3A_127, %dma_start3A_128] : memref<200x128xf32, #tpu.memory_space<vmem>> -> memref<128x128xf32, #tpu.memory_space<vmem>>
      %dma_start3A_130 = arith.constant 0 : i32
      %dma_start3A_131 = tpu.memref_slice %arg6[%dma_start3A_126, %dma_start3A_130] : memref<8x200xi32, #tpu.memory_space<vmem>> -> memref<1x128xi32, #tpu.memory_space<vmem>>
      %dma_start3A_132 = tpu.memref_squeeze %dma_start3A_131 : memref<1x128xi32, #tpu.memory_space<vmem>> -> memref<128xi32, #tpu.memory_space<vmem>>
      %dma_start3A_133 = arith.constant 0 : i32
      %dma_start3A_134 = arith.constant 0 : i32
      %dma_start3A_135 = tpu.memref_slice %arg5[%dma_start3A_133, %dma_start3A_134] : memref<5000x128xf32, #tpu.memory_space<vmem_shared>> -> memref<5000x128xf32, #tpu.memory_space<vmem_shared>>
      tpu.enqueue_indirect_dma source(%dma_start3A_135 : memref<5000x128xf32, #tpu.memory_space<vmem_shared>>) target(%dma_start3A_129 : memref<128x128xf32, #tpu.memory_space<vmem>>) offsets(%dma_start3A_132 : memref<128xi32, #tpu.memory_space<vmem>>) semaphore(%arg10 : memref<!tpu.dma_semaphore, #tpu.memory_space<semaphore_mem>>)
      %dma_wait3A_136 = arith.constant 0 : i32
      %dma_wait3A_137 = arith.constant 0 : i32
      %dma_wait3A_138 = arith.constant 0 : i32
      %dma_wait3A_139 = tpu.memref_slice %arg9[%dma_wait3A_137, %dma_wait3A_138] : memref<200x128xf32, #tpu.memory_space<vmem>> -> memref<128x128xf32, #tpu.memory_space<vmem>>
      %dma_wait3A_140 = arith.constant 0 : i32
      %dma_wait3A_141 = tpu.memref_slice %arg6[%dma_wait3A_136, %dma_wait3A_140] : memref<8x200xi32, #tpu.memory_space<vmem>> -> memref<1x128xi32, #tpu.memory_space<vmem>>
      %dma_wait3A_142 = tpu.memref_squeeze %dma_wait3A_141 : memref<1x128xi32, #tpu.memory_space<vmem>> -> memref<128xi32, #tpu.memory_space<vmem>>
      %dma_wait3A_143 = arith.constant 0 : i32
      %dma_wait3A_144 = arith.constant 0 : i32
      %dma_wait3A_145 = tpu.memref_slice %arg5[%dma_wait3A_143, %dma_wait3A_144] : memref<5000x128xf32, #tpu.memory_space<vmem_shared>> -> memref<5000x128xf32, #tpu.memory_space<vmem_shared>>
      tpu.wait_indirect_dma semaphore(%arg12 : memref<!tpu.dma_semaphore, #tpu.memory_space<semaphore_mem>>) src(%dma_wait3A_145 : memref<5000x128xf32, #tpu.memory_space<vmem_shared>>) dst(%dma_wait3A_139 : memref<128x128xf32, #tpu.memory_space<vmem>>)
      %dma_start3A_146 = arith.constant 2 : i32
      %dma_start3A_147 = arith.constant 128 : i32
      %dma_start3A_148 = arith.constant 0 : i32
      %dma_start3A_149 = tpu.memref_slice %arg8[%dma_start3A_147, %dma_start3A_148] : memref<200x128xf32, #tpu.memory_space<vmem>> -> memref<72x128xf32, #tpu.memory_space<vmem>>
      %dma_start3A_150 = arith.constant 128 : i32
      %dma_start3A_151 = tpu.memref_slice %arg6[%dma_start3A_146, %dma_start3A_150] : memref<8x200xi32, #tpu.memory_space<vmem>> -> memref<1x72xi32, #tpu.memory_space<vmem>>
      %dma_start3A_152 = tpu.memref_squeeze %dma_start3A_151 : memref<1x72xi32, #tpu.memory_space<vmem>> -> memref<72xi32, #tpu.memory_space<vmem>>
      %dma_start3A_153 = arith.constant 0 : i32
      %dma_start3A_154 = arith.constant 0 : i32
      %dma_start3A_155 = tpu.memref_slice %arg5[%dma_start3A_153, %dma_start3A_154] : memref<5000x128xf32, #tpu.memory_space<vmem_shared>> -> memref<5000x128xf32, #tpu.memory_space<vmem_shared>>
      tpu.enqueue_indirect_dma source(%dma_start3A_155 : memref<5000x128xf32, #tpu.memory_space<vmem_shared>>) target(%dma_start3A_149 : memref<72x128xf32, #tpu.memory_space<vmem>>) offsets(%dma_start3A_152 : memref<72xi32, #tpu.memory_space<vmem>>) semaphore(%arg11 : memref<!tpu.dma_semaphore, #tpu.memory_space<semaphore_mem>>)
      %dma_wait3A_156 = arith.constant 0 : i32
      %dma_wait3A_157 = arith.constant 128 : i32
      %dma_wait3A_158 = arith.constant 0 : i32
      %dma_wait3A_159 = tpu.memref_slice %arg9[%dma_wait3A_157, %dma_wait3A_158] : memref<200x128xf32, #tpu.memory_space<vmem>> -> memref<72x128xf32, #tpu.memory_space<vmem>>
      %dma_wait3A_160 = arith.constant 0 : i32
      %dma_wait3A_161 = tpu.memref_slice %arg6[%dma_wait3A_156, %dma_wait3A_160] : memref<8x200xi32, #tpu.memory_space<vmem>> -> memref<1x72xi32, #tpu.memory_space<vmem>>
      %dma_wait3A_162 = tpu.memref_squeeze %dma_wait3A_161 : memref<1x72xi32, #tpu.memory_space<vmem>> -> memref<72xi32, #tpu.memory_space<vmem>>
      %dma_wait3A_163 = arith.constant 0 : i32
      %dma_wait3A_164 = arith.constant 0 : i32
      %dma_wait3A_165 = tpu.memref_slice %arg5[%dma_wait3A_163, %dma_wait3A_164] : memref<5000x128xf32, #tpu.memory_space<vmem_shared>> -> memref<5000x128xf32, #tpu.memory_space<vmem_shared>>
      tpu.wait_indirect_dma semaphore(%arg13 : memref<!tpu.dma_semaphore, #tpu.memory_space<semaphore_mem>>) src(%dma_wait3A_165 : memref<5000x128xf32, #tpu.memory_space<vmem_shared>>) dst(%dma_wait3A_159 : memref<72x128xf32, #tpu.memory_space<vmem>>)
      %add3A_166 = arith.constant 1 : i32
      %add3A_167 = arith.addi %add3A_61, %add3A_166 : i32
      %mul3A_168 = arith.constant 200 : i32
      %mul3A_169 = arith.muli %add3A_167, %mul3A_168 : i32
      %dma_start3A_170 = arith.constant 0 : i32
      %dma_start3A_171 = tpu.memref_slice %arg4[%mul3A_169, %dma_start3A_170] : memref<3276800x128xf32, #tpu.memory_space<hbm>> -> memref<200x128xf32, #tpu.memory_space<hbm>>
      %dma_start3A_172 = arith.constant 0 : i32
      %dma_start3A_173 = tpu.memref_slice %arg4[%mul3A_169, %dma_start3A_172] : memref<3276800x128xf32, #tpu.memory_space<hbm>> -> memref<200x128xf32, #tpu.memory_space<hbm>>
      tpu.enqueue_dma source(%arg9 : memref<200x128xf32, #tpu.memory_space<vmem>>) target(%dma_start3A_173 : memref<200x128xf32, #tpu.memory_space<hbm>>) target_semaphore(%arg15 : memref<!tpu.dma_semaphore, #tpu.memory_space<semaphore_mem>>)
      %dma_wait3A_174 = arith.constant 0 : i32
      %dma_wait3A_175 = arith.constant 0 : i32
      %dma_wait3A_176 = tpu.memref_slice %arg4[%dma_wait3A_174, %dma_wait3A_175] : memref<3276800x128xf32, #tpu.memory_space<hbm>> -> memref<200x128xf32, #tpu.memory_space<hbm>>
      %dma_wait3A_177 = arith.constant 0 : i32
      %dma_wait3A_178 = arith.constant 0 : i32
      %dma_wait3A_179 = tpu.memref_slice %arg4[%dma_wait3A_177, %dma_wait3A_178] : memref<3276800x128xf32, #tpu.memory_space<hbm>> -> memref<200x128xf32, #tpu.memory_space<hbm>>
      tpu.wait_dma2 semaphore(%arg15 : memref<!tpu.dma_semaphore, #tpu.memory_space<semaphore_mem>>) src(%arg9 : memref<200x128xf32, #tpu.memory_space<vmem>>) dst(%dma_wait3A_179 : memref<200x128xf32, #tpu.memory_space<hbm>>)
      %dma_start3A_180 = arith.constant 3 : i32
      %dma_start3A_181 = arith.constant 0 : i32
      %dma_start3A_182 = arith.constant 0 : i32
      %dma_start3A_183 = tpu.memref_slice %arg9[%dma_start3A_181, %dma_start3A_182] : memref<200x128xf32, #tpu.memory_space<vmem>> -> memref<128x128xf32, #tpu.memory_space<vmem>>
      %dma_start3A_184 = arith.constant 0 : i32
      %dma_start3A_185 = tpu.memref_slice %arg6[%dma_start3A_180, %dma_start3A_184] : memref<8x200xi32, #tpu.memory_space<vmem>> -> memref<1x128xi32, #tpu.memory_space<vmem>>
      %dma_start3A_186 = tpu.memref_squeeze %dma_start3A_185 : memref<1x128xi32, #tpu.memory_space<vmem>> -> memref<128xi32, #tpu.memory_space<vmem>>
      %dma_start3A_187 = arith.constant 0 : i32
      %dma_start3A_188 = arith.constant 0 : i32
      %dma_start3A_189 = tpu.memref_slice %arg5[%dma_start3A_187, %dma_start3A_188] : memref<5000x128xf32, #tpu.memory_space<vmem_shared>> -> memref<5000x128xf32, #tpu.memory_space<vmem_shared>>
      tpu.enqueue_indirect_dma source(%dma_start3A_189 : memref<5000x128xf32, #tpu.memory_space<vmem_shared>>) target(%dma_start3A_183 : memref<128x128xf32, #tpu.memory_space<vmem>>) offsets(%dma_start3A_186 : memref<128xi32, #tpu.memory_space<vmem>>) semaphore(%arg12 : memref<!tpu.dma_semaphore, #tpu.memory_space<semaphore_mem>>)
      %dma_wait3A_190 = arith.constant 0 : i32
      %dma_wait3A_191 = arith.constant 0 : i32
      %dma_wait3A_192 = arith.constant 0 : i32
      %dma_wait3A_193 = tpu.memref_slice %arg8[%dma_wait3A_191, %dma_wait3A_192] : memref<200x128xf32, #tpu.memory_space<vmem>> -> memref<128x128xf32, #tpu.memory_space<vmem>>
      %dma_wait3A_194 = arith.constant 0 : i32
      %dma_wait3A_195 = tpu.memref_slice %arg6[%dma_wait3A_190, %dma_wait3A_194] : memref<8x200xi32, #tpu.memory_space<vmem>> -> memref<1x128xi32, #tpu.memory_space<vmem>>
      %dma_wait3A_196 = tpu.memref_squeeze %dma_wait3A_195 : memref<1x128xi32, #tpu.memory_space<vmem>> -> memref<128xi32, #tpu.memory_space<vmem>>
      %dma_wait3A_197 = arith.constant 0 : i32
      %dma_wait3A_198 = arith.constant 0 : i32
      %dma_wait3A_199 = tpu.memref_slice %arg5[%dma_wait3A_197, %dma_wait3A_198] : memref<5000x128xf32, #tpu.memory_space<vmem_shared>> -> memref<5000x128xf32, #tpu.memory_space<vmem_shared>>
      tpu.wait_indirect_dma semaphore(%arg10 : memref<!tpu.dma_semaphore, #tpu.memory_space<semaphore_mem>>) src(%dma_wait3A_199 : memref<5000x128xf32, #tpu.memory_space<vmem_shared>>) dst(%dma_wait3A_193 : memref<128x128xf32, #tpu.memory_space<vmem>>)
      %dma_start3A_200 = arith.constant 3 : i32
      %dma_start3A_201 = arith.constant 128 : i32
      %dma_start3A_202 = arith.constant 0 : i32
      %dma_start3A_203 = tpu.memref_slice %arg9[%dma_start3A_201, %dma_start3A_202] : memref<200x128xf32, #tpu.memory_space<vmem>> -> memref<72x128xf32, #tpu.memory_space<vmem>>
      %dma_start3A_204 = arith.constant 128 : i32
      %dma_start3A_205 = tpu.memref_slice %arg6[%dma_start3A_200, %dma_start3A_204] : memref<8x200xi32, #tpu.memory_space<vmem>> -> memref<1x72xi32, #tpu.memory_space<vmem>>
      %dma_start3A_206 = tpu.memref_squeeze %dma_start3A_205 : memref<1x72xi32, #tpu.memory_space<vmem>> -> memref<72xi32, #tpu.memory_space<vmem>>
      %dma_start3A_207 = arith.constant 0 : i32
      %dma_start3A_208 = arith.constant 0 : i32
      %dma_start3A_209 = tpu.memref_slice %arg5[%dma_start3A_207, %dma_start3A_208] : memref<5000x128xf32, #tpu.memory_space<vmem_shared>> -> memref<5000x128xf32, #tpu.memory_space<vmem_shared>>
      tpu.enqueue_indirect_dma source(%dma_start3A_209 : memref<5000x128xf32, #tpu.memory_space<vmem_shared>>) target(%dma_start3A_203 : memref<72x128xf32, #tpu.memory_space<vmem>>) offsets(%dma_start3A_206 : memref<72xi32, #tpu.memory_space<vmem>>) semaphore(%arg13 : memref<!tpu.dma_semaphore, #tpu.memory_space<semaphore_mem>>)
      %dma_wait3A_210 = arith.constant 0 : i32
      %dma_wait3A_211 = arith.constant 128 : i32
      %dma_wait3A_212 = arith.constant 0 : i32
      %dma_wait3A_213 = tpu.memref_slice %arg8[%dma_wait3A_211, %dma_wait3A_212] : memref<200x128xf32, #tpu.memory_space<vmem>> -> memref<72x128xf32, #tpu.memory_space<vmem>>
      %dma_wait3A_214 = arith.constant 0 : i32
      %dma_wait3A_215 = tpu.memref_slice %arg6[%dma_wait3A_210, %dma_wait3A_214] : memref<8x200xi32, #tpu.memory_space<vmem>> -> memref<1x72xi32, #tpu.memory_space<vmem>>
      %dma_wait3A_216 = tpu.memref_squeeze %dma_wait3A_215 : memref<1x72xi32, #tpu.memory_space<vmem>> -> memref<72xi32, #tpu.memory_space<vmem>>
      %dma_wait3A_217 = arith.constant 0 : i32
      %dma_wait3A_218 = arith.constant 0 : i32
      %dma_wait3A_219 = tpu.memref_slice %arg5[%dma_wait3A_217, %dma_wait3A_218] : memref<5000x128xf32, #tpu.memory_space<vmem_shared>> -> memref<5000x128xf32, #tpu.memory_space<vmem_shared>>
      tpu.wait_indirect_dma semaphore(%arg11 : memref<!tpu.dma_semaphore, #tpu.memory_space<semaphore_mem>>) src(%dma_wait3A_219 : memref<5000x128xf32, #tpu.memory_space<vmem_shared>>) dst(%dma_wait3A_213 : memref<72x128xf32, #tpu.memory_space<vmem>>)
      %add3A_220 = arith.constant 2 : i32
      %add3A_221 = arith.addi %add3A_61, %add3A_220 : i32
      %mul3A_222 = arith.constant 200 : i32
      %mul3A_223 = arith.muli %add3A_221, %mul3A_222 : i32
      %dma_start3A_224 = arith.constant 0 : i32
      %dma_start3A_225 = tpu.memref_slice %arg4[%mul3A_223, %dma_start3A_224] : memref<3276800x128xf32, #tpu.memory_space<hbm>> -> memref<200x128xf32, #tpu.memory_space<hbm>>
      %dma_start3A_226 = arith.constant 0 : i32
      %dma_start3A_227 = tpu.memref_slice %arg4[%mul3A_223, %dma_start3A_226] : memref<3276800x128xf32, #tpu.memory_space<hbm>> -> memref<200x128xf32, #tpu.memory_space<hbm>>
      tpu.enqueue_dma source(%arg8 : memref<200x128xf32, #tpu.memory_space<vmem>>) target(%dma_start3A_227 : memref<200x128xf32, #tpu.memory_space<hbm>>) target_semaphore(%arg14 : memref<!tpu.dma_semaphore, #tpu.memory_space<semaphore_mem>>)
      %dma_wait3A_228 = arith.constant 0 : i32
      %dma_wait3A_229 = arith.constant 0 : i32
      %dma_wait3A_230 = tpu.memref_slice %arg4[%dma_wait3A_228, %dma_wait3A_229] : memref<3276800x128xf32, #tpu.memory_space<hbm>> -> memref<200x128xf32, #tpu.memory_space<hbm>>
      %dma_wait3A_231 = arith.constant 0 : i32
      %dma_wait3A_232 = arith.constant 0 : i32
      %dma_wait3A_233 = tpu.memref_slice %arg4[%dma_wait3A_231, %dma_wait3A_232] : memref<3276800x128xf32, #tpu.memory_space<hbm>> -> memref<200x128xf32, #tpu.memory_space<hbm>>
      tpu.wait_dma2 semaphore(%arg14 : memref<!tpu.dma_semaphore, #tpu.memory_space<semaphore_mem>>) src(%arg8 : memref<200x128xf32, #tpu.memory_space<vmem>>) dst(%dma_wait3A_233 : memref<200x128xf32, #tpu.memory_space<hbm>>)
      %dma_start3A_234 = arith.constant 4 : i32
      %dma_start3A_235 = arith.constant 0 : i32
      %dma_start3A_236 = arith.constant 0 : i32
      %dma_start3A_237 = tpu.memref_slice %arg8[%dma_start3A_235, %dma_start3A_236] : memref<200x128xf32, #tpu.memory_space<vmem>> -> memref<128x128xf32, #tpu.memory_space<vmem>>
      %dma_start3A_238 = arith.constant 0 : i32
      %dma_start3A_239 = tpu.memref_slice %arg6[%dma_start3A_234, %dma_start3A_238] : memref<8x200xi32, #tpu.memory_space<vmem>> -> memref<1x128xi32, #tpu.memory_space<vmem>>
      %dma_start3A_240 = tpu.memref_squeeze %dma_start3A_239 : memref<1x128xi32, #tpu.memory_space<vmem>> -> memref<128xi32, #tpu.memory_space<vmem>>
      %dma_start3A_241 = arith.constant 0 : i32
      %dma_start3A_242 = arith.constant 0 : i32
      %dma_start3A_243 = tpu.memref_slice %arg5[%dma_start3A_241, %dma_start3A_242] : memref<5000x128xf32, #tpu.memory_space<vmem_shared>> -> memref<5000x128xf32, #tpu.memory_space<vmem_shared>>
      tpu.enqueue_indirect_dma source(%dma_start3A_243 : memref<5000x128xf32, #tpu.memory_space<vmem_shared>>) target(%dma_start3A_237 : memref<128x128xf32, #tpu.memory_space<vmem>>) offsets(%dma_start3A_240 : memref<128xi32, #tpu.memory_space<vmem>>) semaphore(%arg10 : memref<!tpu.dma_semaphore, #tpu.memory_space<semaphore_mem>>)
      %dma_wait3A_244 = arith.constant 0 : i32
      %dma_wait3A_245 = arith.constant 0 : i32
      %dma_wait3A_246 = arith.constant 0 : i32
      %dma_wait3A_247 = tpu.memref_slice %arg9[%dma_wait3A_245, %dma_wait3A_246] : memref<200x128xf32, #tpu.memory_space<vmem>> -> memref<128x128xf32, #tpu.memory_space<vmem>>
      %dma_wait3A_248 = arith.constant 0 : i32
      %dma_wait3A_249 = tpu.memref_slice %arg6[%dma_wait3A_244, %dma_wait3A_248] : memref<8x200xi32, #tpu.memory_space<vmem>> -> memref<1x128xi32, #tpu.memory_space<vmem>>
      %dma_wait3A_250 = tpu.memref_squeeze %dma_wait3A_249 : memref<1x128xi32, #tpu.memory_space<vmem>> -> memref<128xi32, #tpu.memory_space<vmem>>
      %dma_wait3A_251 = arith.constant 0 : i32
      %dma_wait3A_252 = arith.constant 0 : i32
      %dma_wait3A_253 = tpu.memref_slice %arg5[%dma_wait3A_251, %dma_wait3A_252] : memref<5000x128xf32, #tpu.memory_space<vmem_shared>> -> memref<5000x128xf32, #tpu.memory_space<vmem_shared>>
      tpu.wait_indirect_dma semaphore(%arg12 : memref<!tpu.dma_semaphore, #tpu.memory_space<semaphore_mem>>) src(%dma_wait3A_253 : memref<5000x128xf32, #tpu.memory_space<vmem_shared>>) dst(%dma_wait3A_247 : memref<128x128xf32, #tpu.memory_space<vmem>>)
      %dma_start3A_254 = arith.constant 4 : i32
      %dma_start3A_255 = arith.constant 128 : i32
      %dma_start3A_256 = arith.constant 0 : i32
      %dma_start3A_257 = tpu.memref_slice %arg8[%dma_start3A_255, %dma_start3A_256] : memref<200x128xf32, #tpu.memory_space<vmem>> -> memref<72x128xf32, #tpu.memory_space<vmem>>
      %dma_start3A_258 = arith.constant 128 : i32
      %dma_start3A_259 = tpu.memref_slice %arg6[%dma_start3A_254, %dma_start3A_258] : memref<8x200xi32, #tpu.memory_space<vmem>> -> memref<1x72xi32, #tpu.memory_space<vmem>>
      %dma_start3A_260 = tpu.memref_squeeze %dma_start3A_259 : memref<1x72xi32, #tpu.memory_space<vmem>> -> memref<72xi32, #tpu.memory_space<vmem>>
      %dma_start3A_261 = arith.constant 0 : i32
      %dma_start3A_262 = arith.constant 0 : i32
      %dma_start3A_263 = tpu.memref_slice %arg5[%dma_start3A_261, %dma_start3A_262] : memref<5000x128xf32, #tpu.memory_space<vmem_shared>> -> memref<5000x128xf32, #tpu.memory_space<vmem_shared>>
      tpu.enqueue_indirect_dma source(%dma_start3A_263 : memref<5000x128xf32, #tpu.memory_space<vmem_shared>>) target(%dma_start3A_257 : memref<72x128xf32, #tpu.memory_space<vmem>>) offsets(%dma_start3A_260 : memref<72xi32, #tpu.memory_space<vmem>>) semaphore(%arg11 : memref<!tpu.dma_semaphore, #tpu.memory_space<semaphore_mem>>)
      %dma_wait3A_264 = arith.constant 0 : i32
      %dma_wait3A_265 = arith.constant 128 : i32
      %dma_wait3A_266 = arith.constant 0 : i32
      %dma_wait3A_267 = tpu.memref_slice %arg9[%dma_wait3A_265, %dma_wait3A_266] : memref<200x128xf32, #tpu.memory_space<vmem>> -> memref<72x128xf32, #tpu.memory_space<vmem>>
      %dma_wait3A_268 = arith.constant 0 : i32
      %dma_wait3A_269 = tpu.memref_slice %arg6[%dma_wait3A_264, %dma_wait3A_268] : memref<8x200xi32, #tpu.memory_space<vmem>> -> memref<1x72xi32, #tpu.memory_space<vmem>>
      %dma_wait3A_270 = tpu.memref_squeeze %dma_wait3A_269 : memref<1x72xi32, #tpu.memory_space<vmem>> -> memref<72xi32, #tpu.memory_space<vmem>>
      %dma_wait3A_271 = arith.constant 0 : i32
      %dma_wait3A_272 = arith.constant 0 : i32
      %dma_wait3A_273 = tpu.memref_slice %arg5[%dma_wait3A_271, %dma_wait3A_272] : memref<5000x128xf32, #tpu.memory_space<vmem_shared>> -> memref<5000x128xf32, #tpu.memory_space<vmem_shared>>
      tpu.wait_indirect_dma semaphore(%arg13 : memref<!tpu.dma_semaphore, #tpu.memory_space<semaphore_mem>>) src(%dma_wait3A_273 : memref<5000x128xf32, #tpu.memory_space<vmem_shared>>) dst(%dma_wait3A_267 : memref<72x128xf32, #tpu.memory_space<vmem>>)
      %add3A_274 = arith.constant 3 : i32
      %add3A_275 = arith.addi %add3A_61, %add3A_274 : i32
      %mul3A_276 = arith.constant 200 : i32
      %mul3A_277 = arith.muli %add3A_275, %mul3A_276 : i32
      %dma_start3A_278 = arith.constant 0 : i32
      %dma_start3A_279 = tpu.memref_slice %arg4[%mul3A_277, %dma_start3A_278] : memref<3276800x128xf32, #tpu.memory_space<hbm>> -> memref<200x128xf32, #tpu.memory_space<hbm>>
      %dma_start3A_280 = arith.constant 0 : i32
      %dma_start3A_281 = tpu.memref_slice %arg4[%mul3A_277, %dma_start3A_280] : memref<3276800x128xf32, #tpu.memory_space<hbm>> -> memref<200x128xf32, #tpu.memory_space<hbm>>
      tpu.enqueue_dma source(%arg9 : memref<200x128xf32, #tpu.memory_space<vmem>>) target(%dma_start3A_281 : memref<200x128xf32, #tpu.memory_space<hbm>>) target_semaphore(%arg15 : memref<!tpu.dma_semaphore, #tpu.memory_space<semaphore_mem>>)
      %dma_wait3A_282 = arith.constant 0 : i32
      %dma_wait3A_283 = arith.constant 0 : i32
      %dma_wait3A_284 = tpu.memref_slice %arg4[%dma_wait3A_282, %dma_wait3A_283] : memref<3276800x128xf32, #tpu.memory_space<hbm>> -> memref<200x128xf32, #tpu.memory_space<hbm>>
      %dma_wait3A_285 = arith.constant 0 : i32
      %dma_wait3A_286 = arith.constant 0 : i32
      %dma_wait3A_287 = tpu.memref_slice %arg4[%dma_wait3A_285, %dma_wait3A_286] : memref<3276800x128xf32, #tpu.memory_space<hbm>> -> memref<200x128xf32, #tpu.memory_space<hbm>>
      tpu.wait_dma2 semaphore(%arg15 : memref<!tpu.dma_semaphore, #tpu.memory_space<semaphore_mem>>) src(%arg9 : memref<200x128xf32, #tpu.memory_space<vmem>>) dst(%dma_wait3A_287 : memref<200x128xf32, #tpu.memory_space<hbm>>)
      %dma_start3A_288 = arith.constant 5 : i32
      %dma_start3A_289 = arith.constant 0 : i32
      %dma_start3A_290 = arith.constant 0 : i32
      %dma_start3A_291 = tpu.memref_slice %arg9[%dma_start3A_289, %dma_start3A_290] : memref<200x128xf32, #tpu.memory_space<vmem>> -> memref<128x128xf32, #tpu.memory_space<vmem>>
      %dma_start3A_292 = arith.constant 0 : i32
      %dma_start3A_293 = tpu.memref_slice %arg6[%dma_start3A_288, %dma_start3A_292] : memref<8x200xi32, #tpu.memory_space<vmem>> -> memref<1x128xi32, #tpu.memory_space<vmem>>
      %dma_start3A_294 = tpu.memref_squeeze %dma_start3A_293 : memref<1x128xi32, #tpu.memory_space<vmem>> -> memref<128xi32, #tpu.memory_space<vmem>>
      %dma_start3A_295 = arith.constant 0 : i32
      %dma_start3A_296 = arith.constant 0 : i32
      %dma_start3A_297 = tpu.memref_slice %arg5[%dma_start3A_295, %dma_start3A_296] : memref<5000x128xf32, #tpu.memory_space<vmem_shared>> -> memref<5000x128xf32, #tpu.memory_space<vmem_shared>>
      tpu.enqueue_indirect_dma source(%dma_start3A_297 : memref<5000x128xf32, #tpu.memory_space<vmem_shared>>) target(%dma_start3A_291 : memref<128x128xf32, #tpu.memory_space<vmem>>) offsets(%dma_start3A_294 : memref<128xi32, #tpu.memory_space<vmem>>) semaphore(%arg12 : memref<!tpu.dma_semaphore, #tpu.memory_space<semaphore_mem>>)
      %dma_wait3A_298 = arith.constant 0 : i32
      %dma_wait3A_299 = arith.constant 0 : i32
      %dma_wait3A_300 = arith.constant 0 : i32
      %dma_wait3A_301 = tpu.memref_slice %arg8[%dma_wait3A_299, %dma_wait3A_300] : memref<200x128xf32, #tpu.memory_space<vmem>> -> memref<128x128xf32, #tpu.memory_space<vmem>>
      %dma_wait3A_302 = arith.constant 0 : i32
      %dma_wait3A_303 = tpu.memref_slice %arg6[%dma_wait3A_298, %dma_wait3A_302] : memref<8x200xi32, #tpu.memory_space<vmem>> -> memref<1x128xi32, #tpu.memory_space<vmem>>
      %dma_wait3A_304 = tpu.memref_squeeze %dma_wait3A_303 : memref<1x128xi32, #tpu.memory_space<vmem>> -> memref<128xi32, #tpu.memory_space<vmem>>
      %dma_wait3A_305 = arith.constant 0 : i32
      %dma_wait3A_306 = arith.constant 0 : i32
      %dma_wait3A_307 = tpu.memref_slice %arg5[%dma_wait3A_305, %dma_wait3A_306] : memref<5000x128xf32, #tpu.memory_space<vmem_shared>> -> memref<5000x128xf32, #tpu.memory_space<vmem_shared>>
      tpu.wait_indirect_dma semaphore(%arg10 : memref<!tpu.dma_semaphore, #tpu.memory_space<semaphore_mem>>) src(%dma_wait3A_307 : memref<5000x128xf32, #tpu.memory_space<vmem_shared>>) dst(%dma_wait3A_301 : memref<128x128xf32, #tpu.memory_space<vmem>>)
      %dma_start3A_308 = arith.constant 5 : i32
      %dma_start3A_309 = arith.constant 128 : i32
      %dma_start3A_310 = arith.constant 0 : i32
      %dma_start3A_311 = tpu.memref_slice %arg9[%dma_start3A_309, %dma_start3A_310] : memref<200x128xf32, #tpu.memory_space<vmem>> -> memref<72x128xf32, #tpu.memory_space<vmem>>
      %dma_start3A_312 = arith.constant 128 : i32
      %dma_start3A_313 = tpu.memref_slice %arg6[%dma_start3A_308, %dma_start3A_312] : memref<8x200xi32, #tpu.memory_space<vmem>> -> memref<1x72xi32, #tpu.memory_space<vmem>>
      %dma_start3A_314 = tpu.memref_squeeze %dma_start3A_313 : memref<1x72xi32, #tpu.memory_space<vmem>> -> memref<72xi32, #tpu.memory_space<vmem>>
      %dma_start3A_315 = arith.constant 0 : i32
      %dma_start3A_316 = arith.constant 0 : i32
      %dma_start3A_317 = tpu.memref_slice %arg5[%dma_start3A_315, %dma_start3A_316] : memref<5000x128xf32, #tpu.memory_space<vmem_shared>> -> memref<5000x128xf32, #tpu.memory_space<vmem_shared>>
      tpu.enqueue_indirect_dma source(%dma_start3A_317 : memref<5000x128xf32, #tpu.memory_space<vmem_shared>>) target(%dma_start3A_311 : memref<72x128xf32, #tpu.memory_space<vmem>>) offsets(%dma_start3A_314 : memref<72xi32, #tpu.memory_space<vmem>>) semaphore(%arg13 : memref<!tpu.dma_semaphore, #tpu.memory_space<semaphore_mem>>)
      %dma_wait3A_318 = arith.constant 0 : i32
      %dma_wait3A_319 = arith.constant 128 : i32
      %dma_wait3A_320 = arith.constant 0 : i32
      %dma_wait3A_321 = tpu.memref_slice %arg8[%dma_wait3A_319, %dma_wait3A_320] : memref<200x128xf32, #tpu.memory_space<vmem>> -> memref<72x128xf32, #tpu.memory_space<vmem>>
      %dma_wait3A_322 = arith.constant 0 : i32
      %dma_wait3A_323 = tpu.memref_slice %arg6[%dma_wait3A_318, %dma_wait3A_322] : memref<8x200xi32, #tpu.memory_space<vmem>> -> memref<1x72xi32, #tpu.memory_space<vmem>>
      %dma_wait3A_324 = tpu.memref_squeeze %dma_wait3A_323 : memref<1x72xi32, #tpu.memory_space<vmem>> -> memref<72xi32, #tpu.memory_space<vmem>>
      %dma_wait3A_325 = arith.constant 0 : i32
      %dma_wait3A_326 = arith.constant 0 : i32
      %dma_wait3A_327 = tpu.memref_slice %arg5[%dma_wait3A_325, %dma_wait3A_326] : memref<5000x128xf32, #tpu.memory_space<vmem_shared>> -> memref<5000x128xf32, #tpu.memory_space<vmem_shared>>
      tpu.wait_indirect_dma semaphore(%arg11 : memref<!tpu.dma_semaphore, #tpu.memory_space<semaphore_mem>>) src(%dma_wait3A_327 : memref<5000x128xf32, #tpu.memory_space<vmem_shared>>) dst(%dma_wait3A_321 : memref<72x128xf32, #tpu.memory_space<vmem>>)
      %add3A_328 = arith.constant 4 : i32
      %add3A_329 = arith.addi %add3A_61, %add3A_328 : i32
      %mul3A_330 = arith.constant 200 : i32
      %mul3A_331 = arith.muli %add3A_329, %mul3A_330 : i32
      %dma_start3A_332 = arith.constant 0 : i32
      %dma_start3A_333 = tpu.memref_slice %arg4[%mul3A_331, %dma_start3A_332] : memref<3276800x128xf32, #tpu.memory_space<hbm>> -> memref<200x128xf32, #tpu.memory_space<hbm>>
      %dma_start3A_334 = arith.constant 0 : i32
      %dma_start3A_335 = tpu.memref_slice %arg4[%mul3A_331, %dma_start3A_334] : memref<3276800x128xf32, #tpu.memory_space<hbm>> -> memref<200x128xf32, #tpu.memory_space<hbm>>
      tpu.enqueue_dma source(%arg8 : memref<200x128xf32, #tpu.memory_space<vmem>>) target(%dma_start3A_335 : memref<200x128xf32, #tpu.memory_space<hbm>>) target_semaphore(%arg14 : memref<!tpu.dma_semaphore, #tpu.memory_space<semaphore_mem>>)
      %dma_wait3A_336 = arith.constant 0 : i32
      %dma_wait3A_337 = arith.constant 0 : i32
      %dma_wait3A_338 = tpu.memref_slice %arg4[%dma_wait3A_336, %dma_wait3A_337] : memref<3276800x128xf32, #tpu.memory_space<hbm>> -> memref<200x128xf32, #tpu.memory_space<hbm>>
      %dma_wait3A_339 = arith.constant 0 : i32
      %dma_wait3A_340 = arith.constant 0 : i32
      %dma_wait3A_341 = tpu.memref_slice %arg4[%dma_wait3A_339, %dma_wait3A_340] : memref<3276800x128xf32, #tpu.memory_space<hbm>> -> memref<200x128xf32, #tpu.memory_space<hbm>>
      tpu.wait_dma2 semaphore(%arg14 : memref<!tpu.dma_semaphore, #tpu.memory_space<semaphore_mem>>) src(%arg8 : memref<200x128xf32, #tpu.memory_space<vmem>>) dst(%dma_wait3A_341 : memref<200x128xf32, #tpu.memory_space<hbm>>)
      %dma_start3A_342 = arith.constant 6 : i32
      %dma_start3A_343 = arith.constant 0 : i32
      %dma_start3A_344 = arith.constant 0 : i32
      %dma_start3A_345 = tpu.memref_slice %arg8[%dma_start3A_343, %dma_start3A_344] : memref<200x128xf32, #tpu.memory_space<vmem>> -> memref<128x128xf32, #tpu.memory_space<vmem>>
      %dma_start3A_346 = arith.constant 0 : i32
      %dma_start3A_347 = tpu.memref_slice %arg6[%dma_start3A_342, %dma_start3A_346] : memref<8x200xi32, #tpu.memory_space<vmem>> -> memref<1x128xi32, #tpu.memory_space<vmem>>
      %dma_start3A_348 = tpu.memref_squeeze %dma_start3A_347 : memref<1x128xi32, #tpu.memory_space<vmem>> -> memref<128xi32, #tpu.memory_space<vmem>>
      %dma_start3A_349 = arith.constant 0 : i32
      %dma_start3A_350 = arith.constant 0 : i32
      %dma_start3A_351 = tpu.memref_slice %arg5[%dma_start3A_349, %dma_start3A_350] : memref<5000x128xf32, #tpu.memory_space<vmem_shared>> -> memref<5000x128xf32, #tpu.memory_space<vmem_shared>>
      tpu.enqueue_indirect_dma source(%dma_start3A_351 : memref<5000x128xf32, #tpu.memory_space<vmem_shared>>) target(%dma_start3A_345 : memref<128x128xf32, #tpu.memory_space<vmem>>) offsets(%dma_start3A_348 : memref<128xi32, #tpu.memory_space<vmem>>) semaphore(%arg10 : memref<!tpu.dma_semaphore, #tpu.memory_space<semaphore_mem>>)
      %dma_wait3A_352 = arith.constant 0 : i32
      %dma_wait3A_353 = arith.constant 0 : i32
      %dma_wait3A_354 = arith.constant 0 : i32
      %dma_wait3A_355 = tpu.memref_slice %arg9[%dma_wait3A_353, %dma_wait3A_354] : memref<200x128xf32, #tpu.memory_space<vmem>> -> memref<128x128xf32, #tpu.memory_space<vmem>>
      %dma_wait3A_356 = arith.constant 0 : i32
      %dma_wait3A_357 = tpu.memref_slice %arg6[%dma_wait3A_352, %dma_wait3A_356] : memref<8x200xi32, #tpu.memory_space<vmem>> -> memref<1x128xi32, #tpu.memory_space<vmem>>
      %dma_wait3A_358 = tpu.memref_squeeze %dma_wait3A_357 : memref<1x128xi32, #tpu.memory_space<vmem>> -> memref<128xi32, #tpu.memory_space<vmem>>
      %dma_wait3A_359 = arith.constant 0 : i32
      %dma_wait3A_360 = arith.constant 0 : i32
      %dma_wait3A_361 = tpu.memref_slice %arg5[%dma_wait3A_359, %dma_wait3A_360] : memref<5000x128xf32, #tpu.memory_space<vmem_shared>> -> memref<5000x128xf32, #tpu.memory_space<vmem_shared>>
      tpu.wait_indirect_dma semaphore(%arg12 : memref<!tpu.dma_semaphore, #tpu.memory_space<semaphore_mem>>) src(%dma_wait3A_361 : memref<5000x128xf32, #tpu.memory_space<vmem_shared>>) dst(%dma_wait3A_355 : memref<128x128xf32, #tpu.memory_space<vmem>>)
      %dma_start3A_362 = arith.constant 6 : i32
      %dma_start3A_363 = arith.constant 128 : i32
      %dma_start3A_364 = arith.constant 0 : i32
      %dma_start3A_365 = tpu.memref_slice %arg8[%dma_start3A_363, %dma_start3A_364] : memref<200x128xf32, #tpu.memory_space<vmem>> -> memref<72x128xf32, #tpu.memory_space<vmem>>
      %dma_start3A_366 = arith.constant 128 : i32
      %dma_start3A_367 = tpu.memref_slice %arg6[%dma_start3A_362, %dma_start3A_366] : memref<8x200xi32, #tpu.memory_space<vmem>> -> memref<1x72xi32, #tpu.memory_space<vmem>>
      %dma_start3A_368 = tpu.memref_squeeze %dma_start3A_367 : memref<1x72xi32, #tpu.memory_space<vmem>> -> memref<72xi32, #tpu.memory_space<vmem>>
      %dma_start3A_369 = arith.constant 0 : i32
      %dma_start3A_370 = arith.constant 0 : i32
      %dma_start3A_371 = tpu.memref_slice %arg5[%dma_start3A_369, %dma_start3A_370] : memref<5000x128xf32, #tpu.memory_space<vmem_shared>> -> memref<5000x128xf32, #tpu.memory_space<vmem_shared>>
      tpu.enqueue_indirect_dma source(%dma_start3A_371 : memref<5000x128xf32, #tpu.memory_space<vmem_shared>>) target(%dma_start3A_365 : memref<72x128xf32, #tpu.memory_space<vmem>>) offsets(%dma_start3A_368 : memref<72xi32, #tpu.memory_space<vmem>>) semaphore(%arg11 : memref<!tpu.dma_semaphore, #tpu.memory_space<semaphore_mem>>)
      %dma_wait3A_372 = arith.constant 0 : i32
      %dma_wait3A_373 = arith.constant 128 : i32
      %dma_wait3A_374 = arith.constant 0 : i32
      %dma_wait3A_375 = tpu.memref_slice %arg9[%dma_wait3A_373, %dma_wait3A_374] : memref<200x128xf32, #tpu.memory_space<vmem>> -> memref<72x128xf32, #tpu.memory_space<vmem>>
      %dma_wait3A_376 = arith.constant 0 : i32
      %dma_wait3A_377 = tpu.memref_slice %arg6[%dma_wait3A_372, %dma_wait3A_376] : memref<8x200xi32, #tpu.memory_space<vmem>> -> memref<1x72xi32, #tpu.memory_space<vmem>>
      %dma_wait3A_378 = tpu.memref_squeeze %dma_wait3A_377 : memref<1x72xi32, #tpu.memory_space<vmem>> -> memref<72xi32, #tpu.memory_space<vmem>>
      %dma_wait3A_379 = arith.constant 0 : i32
      %dma_wait3A_380 = arith.constant 0 : i32
      %dma_wait3A_381 = tpu.memref_slice %arg5[%dma_wait3A_379, %dma_wait3A_380] : memref<5000x128xf32, #tpu.memory_space<vmem_shared>> -> memref<5000x128xf32, #tpu.memory_space<vmem_shared>>
      tpu.wait_indirect_dma semaphore(%arg13 : memref<!tpu.dma_semaphore, #tpu.memory_space<semaphore_mem>>) src(%dma_wait3A_381 : memref<5000x128xf32, #tpu.memory_space<vmem_shared>>) dst(%dma_wait3A_375 : memref<72x128xf32, #tpu.memory_space<vmem>>)
      %add3A_382 = arith.constant 5 : i32
      %add3A_383 = arith.addi %add3A_61, %add3A_382 : i32
      %mul3A_384 = arith.constant 200 : i32
      %mul3A_385 = arith.muli %add3A_383, %mul3A_384 : i32
      %dma_start3A_386 = arith.constant 0 : i32
      %dma_start3A_387 = tpu.memref_slice %arg4[%mul3A_385, %dma_start3A_386] : memref<3276800x128xf32, #tpu.memory_space<hbm>> -> memref<200x128xf32, #tpu.memory_space<hbm>>
      %dma_start3A_388 = arith.constant 0 : i32
      %dma_start3A_389 = tpu.memref_slice %arg4[%mul3A_385, %dma_start3A_388] : memref<3276800x128xf32, #tpu.memory_space<hbm>> -> memref<200x128xf32, #tpu.memory_space<hbm>>
      tpu.enqueue_dma source(%arg9 : memref<200x128xf32, #tpu.memory_space<vmem>>) target(%dma_start3A_389 : memref<200x128xf32, #tpu.memory_space<hbm>>) target_semaphore(%arg15 : memref<!tpu.dma_semaphore, #tpu.memory_space<semaphore_mem>>)
      %dma_wait3A_390 = arith.constant 0 : i32
      %dma_wait3A_391 = arith.constant 0 : i32
      %dma_wait3A_392 = tpu.memref_slice %arg4[%dma_wait3A_390, %dma_wait3A_391] : memref<3276800x128xf32, #tpu.memory_space<hbm>> -> memref<200x128xf32, #tpu.memory_space<hbm>>
      %dma_wait3A_393 = arith.constant 0 : i32
      %dma_wait3A_394 = arith.constant 0 : i32
      %dma_wait3A_395 = tpu.memref_slice %arg4[%dma_wait3A_393, %dma_wait3A_394] : memref<3276800x128xf32, #tpu.memory_space<hbm>> -> memref<200x128xf32, #tpu.memory_space<hbm>>
      tpu.wait_dma2 semaphore(%arg15 : memref<!tpu.dma_semaphore, #tpu.memory_space<semaphore_mem>>) src(%arg9 : memref<200x128xf32, #tpu.memory_space<vmem>>) dst(%dma_wait3A_395 : memref<200x128xf32, #tpu.memory_space<hbm>>)
      %dma_start3A_396 = arith.constant 7 : i32
      %dma_start3A_397 = arith.constant 0 : i32
      %dma_start3A_398 = arith.constant 0 : i32
      %dma_start3A_399 = tpu.memref_slice %arg9[%dma_start3A_397, %dma_start3A_398] : memref<200x128xf32, #tpu.memory_space<vmem>> -> memref<128x128xf32, #tpu.memory_space<vmem>>
      %dma_start3A_400 = arith.constant 0 : i32
      %dma_start3A_401 = tpu.memref_slice %arg6[%dma_start3A_396, %dma_start3A_400] : memref<8x200xi32, #tpu.memory_space<vmem>> -> memref<1x128xi32, #tpu.memory_space<vmem>>
      %dma_start3A_402 = tpu.memref_squeeze %dma_start3A_401 : memref<1x128xi32, #tpu.memory_space<vmem>> -> memref<128xi32, #tpu.memory_space<vmem>>
      %dma_start3A_403 = arith.constant 0 : i32
      %dma_start3A_404 = arith.constant 0 : i32
      %dma_start3A_405 = tpu.memref_slice %arg5[%dma_start3A_403, %dma_start3A_404] : memref<5000x128xf32, #tpu.memory_space<vmem_shared>> -> memref<5000x128xf32, #tpu.memory_space<vmem_shared>>
      tpu.enqueue_indirect_dma source(%dma_start3A_405 : memref<5000x128xf32, #tpu.memory_space<vmem_shared>>) target(%dma_start3A_399 : memref<128x128xf32, #tpu.memory_space<vmem>>) offsets(%dma_start3A_402 : memref<128xi32, #tpu.memory_space<vmem>>) semaphore(%arg12 : memref<!tpu.dma_semaphore, #tpu.memory_space<semaphore_mem>>)
      %dma_wait3A_406 = arith.constant 0 : i32
      %dma_wait3A_407 = arith.constant 0 : i32
      %dma_wait3A_408 = arith.constant 0 : i32
      %dma_wait3A_409 = tpu.memref_slice %arg8[%dma_wait3A_407, %dma_wait3A_408] : memref<200x128xf32, #tpu.memory_space<vmem>> -> memref<128x128xf32, #tpu.memory_space<vmem>>
      %dma_wait3A_410 = arith.constant 0 : i32
      %dma_wait3A_411 = tpu.memref_slice %arg6[%dma_wait3A_406, %dma_wait3A_410] : memref<8x200xi32, #tpu.memory_space<vmem>> -> memref<1x128xi32, #tpu.memory_space<vmem>>
      %dma_wait3A_412 = tpu.memref_squeeze %dma_wait3A_411 : memref<1x128xi32, #tpu.memory_space<vmem>> -> memref<128xi32, #tpu.memory_space<vmem>>
      %dma_wait3A_413 = arith.constant 0 : i32
      %dma_wait3A_414 = arith.constant 0 : i32
      %dma_wait3A_415 = tpu.memref_slice %arg5[%dma_wait3A_413, %dma_wait3A_414] : memref<5000x128xf32, #tpu.memory_space<vmem_shared>> -> memref<5000x128xf32, #tpu.memory_space<vmem_shared>>
      tpu.wait_indirect_dma semaphore(%arg10 : memref<!tpu.dma_semaphore, #tpu.memory_space<semaphore_mem>>) src(%dma_wait3A_415 : memref<5000x128xf32, #tpu.memory_space<vmem_shared>>) dst(%dma_wait3A_409 : memref<128x128xf32, #tpu.memory_space<vmem>>)
      %dma_wait3A_416 = arith.constant 0 : i32
      %dma_wait3A_417 = arith.constant 0 : i32
      %dma_wait3A_418 = tpu.memref_slice %arg2[%dma_wait3A_416, %dma_wait3A_417] : memref<16384x200xi32, #tpu.memory_space<hbm>> -> memref<8x200xi32, #tpu.memory_space<hbm>>
      %dma_wait3A_419 = arith.constant 0 : i32
      %dma_wait3A_420 = arith.constant 0 : i32
      %dma_wait3A_421 = tpu.memref_slice %arg2[%dma_wait3A_419, %dma_wait3A_420] : memref<16384x200xi32, #tpu.memory_space<hbm>> -> memref<8x200xi32, #tpu.memory_space<hbm>>
      tpu.wait_dma2 semaphore(%arg17 : memref<!tpu.dma_semaphore, #tpu.memory_space<semaphore_mem>>) src(%dma_wait3A_421 : memref<8x200xi32, #tpu.memory_space<hbm>>) dst(%arg7 : memref<8x200xi32, #tpu.memory_space<vmem>>)
      %dma_start3A_422 = arith.constant 7 : i32
      %dma_start3A_423 = arith.constant 128 : i32
      %dma_start3A_424 = arith.constant 0 : i32
      %dma_start3A_425 = tpu.memref_slice %arg9[%dma_start3A_423, %dma_start3A_424] : memref<200x128xf32, #tpu.memory_space<vmem>> -> memref<72x128xf32, #tpu.memory_space<vmem>>
      %dma_start3A_426 = arith.constant 128 : i32
      %dma_start3A_427 = tpu.memref_slice %arg6[%dma_start3A_422, %dma_start3A_426] : memref<8x200xi32, #tpu.memory_space<vmem>> -> memref<1x72xi32, #tpu.memory_space<vmem>>
      %dma_start3A_428 = tpu.memref_squeeze %dma_start3A_427 : memref<1x72xi32, #tpu.memory_space<vmem>> -> memref<72xi32, #tpu.memory_space<vmem>>
      %dma_start3A_429 = arith.constant 0 : i32
      %dma_start3A_430 = arith.constant 0 : i32
      %dma_start3A_431 = tpu.memref_slice %arg5[%dma_start3A_429, %dma_start3A_430] : memref<5000x128xf32, #tpu.memory_space<vmem_shared>> -> memref<5000x128xf32, #tpu.memory_space<vmem_shared>>
      tpu.enqueue_indirect_dma source(%dma_start3A_431 : memref<5000x128xf32, #tpu.memory_space<vmem_shared>>) target(%dma_start3A_425 : memref<72x128xf32, #tpu.memory_space<vmem>>) offsets(%dma_start3A_428 : memref<72xi32, #tpu.memory_space<vmem>>) semaphore(%arg13 : memref<!tpu.dma_semaphore, #tpu.memory_space<semaphore_mem>>)
      %dma_wait3A_432 = arith.constant 0 : i32
      %dma_wait3A_433 = arith.constant 128 : i32
      %dma_wait3A_434 = arith.constant 0 : i32
      %dma_wait3A_435 = tpu.memref_slice %arg8[%dma_wait3A_433, %dma_wait3A_434] : memref<200x128xf32, #tpu.memory_space<vmem>> -> memref<72x128xf32, #tpu.memory_space<vmem>>
      %dma_wait3A_436 = arith.constant 0 : i32
      %dma_wait3A_437 = tpu.memref_slice %arg6[%dma_wait3A_432, %dma_wait3A_436] : memref<8x200xi32, #tpu.memory_space<vmem>> -> memref<1x72xi32, #tpu.memory_space<vmem>>
      %dma_wait3A_438 = tpu.memref_squeeze %dma_wait3A_437 : memref<1x72xi32, #tpu.memory_space<vmem>> -> memref<72xi32, #tpu.memory_space<vmem>>
      %dma_wait3A_439 = arith.constant 0 : i32
      %dma_wait3A_440 = arith.constant 0 : i32
      %dma_wait3A_441 = tpu.memref_slice %arg5[%dma_wait3A_439, %dma_wait3A_440] : memref<5000x128xf32, #tpu.memory_space<vmem_shared>> -> memref<5000x128xf32, #tpu.memory_space<vmem_shared>>
      tpu.wait_indirect_dma semaphore(%arg11 : memref<!tpu.dma_semaphore, #tpu.memory_space<semaphore_mem>>) src(%dma_wait3A_441 : memref<5000x128xf32, #tpu.memory_space<vmem_shared>>) dst(%dma_wait3A_435 : memref<72x128xf32, #tpu.memory_space<vmem>>)
      %add3A_442 = arith.constant 6 : i32
      %add3A_443 = arith.addi %add3A_61, %add3A_442 : i32
      %mul3A_444 = arith.constant 200 : i32
      %mul3A_445 = arith.muli %add3A_443, %mul3A_444 : i32
      %dma_start3A_446 = arith.constant 0 : i32
      %dma_start3A_447 = tpu.memref_slice %arg4[%mul3A_445, %dma_start3A_446] : memref<3276800x128xf32, #tpu.memory_space<hbm>> -> memref<200x128xf32, #tpu.memory_space<hbm>>
      %dma_start3A_448 = arith.constant 0 : i32
      %dma_start3A_449 = tpu.memref_slice %arg4[%mul3A_445, %dma_start3A_448] : memref<3276800x128xf32, #tpu.memory_space<hbm>> -> memref<200x128xf32, #tpu.memory_space<hbm>>
      tpu.enqueue_dma source(%arg8 : memref<200x128xf32, #tpu.memory_space<vmem>>) target(%dma_start3A_449 : memref<200x128xf32, #tpu.memory_space<hbm>>) target_semaphore(%arg14 : memref<!tpu.dma_semaphore, #tpu.memory_space<semaphore_mem>>)
      %dma_wait3A_450 = arith.constant 0 : i32
      %dma_wait3A_451 = arith.constant 0 : i32
      %dma_wait3A_452 = tpu.memref_slice %arg4[%dma_wait3A_450, %dma_wait3A_451] : memref<3276800x128xf32, #tpu.memory_space<hbm>> -> memref<200x128xf32, #tpu.memory_space<hbm>>
      %dma_wait3A_453 = arith.constant 0 : i32
      %dma_wait3A_454 = arith.constant 0 : i32
      %dma_wait3A_455 = tpu.memref_slice %arg4[%dma_wait3A_453, %dma_wait3A_454] : memref<3276800x128xf32, #tpu.memory_space<hbm>> -> memref<200x128xf32, #tpu.memory_space<hbm>>
      tpu.wait_dma2 semaphore(%arg14 : memref<!tpu.dma_semaphore, #tpu.memory_space<semaphore_mem>>) src(%arg8 : memref<200x128xf32, #tpu.memory_space<vmem>>) dst(%dma_wait3A_455 : memref<200x128xf32, #tpu.memory_space<hbm>>)
      %dma_start3A_456 = arith.constant 0 : i32
      %dma_start3A_457 = arith.constant 0 : i32
      %dma_start3A_458 = arith.constant 0 : i32
      %dma_start3A_459 = tpu.memref_slice %arg8[%dma_start3A_457, %dma_start3A_458] : memref<200x128xf32, #tpu.memory_space<vmem>> -> memref<128x128xf32, #tpu.memory_space<vmem>>
      %dma_start3A_460 = arith.constant 0 : i32
      %dma_start3A_461 = tpu.memref_slice %arg7[%dma_start3A_456, %dma_start3A_460] : memref<8x200xi32, #tpu.memory_space<vmem>> -> memref<1x128xi32, #tpu.memory_space<vmem>>
      %dma_start3A_462 = tpu.memref_squeeze %dma_start3A_461 : memref<1x128xi32, #tpu.memory_space<vmem>> -> memref<128xi32, #tpu.memory_space<vmem>>
      %dma_start3A_463 = arith.constant 0 : i32
      %dma_start3A_464 = arith.constant 0 : i32
      %dma_start3A_465 = tpu.memref_slice %arg5[%dma_start3A_463, %dma_start3A_464] : memref<5000x128xf32, #tpu.memory_space<vmem_shared>> -> memref<5000x128xf32, #tpu.memory_space<vmem_shared>>
      tpu.enqueue_indirect_dma source(%dma_start3A_465 : memref<5000x128xf32, #tpu.memory_space<vmem_shared>>) target(%dma_start3A_459 : memref<128x128xf32, #tpu.memory_space<vmem>>) offsets(%dma_start3A_462 : memref<128xi32, #tpu.memory_space<vmem>>) semaphore(%arg10 : memref<!tpu.dma_semaphore, #tpu.memory_space<semaphore_mem>>)
      %dma_wait3A_466 = arith.constant 0 : i32
      %dma_wait3A_467 = arith.constant 0 : i32
      %dma_wait3A_468 = arith.constant 0 : i32
      %dma_wait3A_469 = tpu.memref_slice %arg9[%dma_wait3A_467, %dma_wait3A_468] : memref<200x128xf32, #tpu.memory_space<vmem>> -> memref<128x128xf32, #tpu.memory_space<vmem>>
      %dma_wait3A_470 = arith.constant 0 : i32
      %dma_wait3A_471 = tpu.memref_slice %arg6[%dma_wait3A_466, %dma_wait3A_470] : memref<8x200xi32, #tpu.memory_space<vmem>> -> memref<1x128xi32, #tpu.memory_space<vmem>>
      %dma_wait3A_472 = tpu.memref_squeeze %dma_wait3A_471 : memref<1x128xi32, #tpu.memory_space<vmem>> -> memref<128xi32, #tpu.memory_space<vmem>>
      %dma_wait3A_473 = arith.constant 0 : i32
      %dma_wait3A_474 = arith.constant 0 : i32
      %dma_wait3A_475 = tpu.memref_slice %arg5[%dma_wait3A_473, %dma_wait3A_474] : memref<5000x128xf32, #tpu.memory_space<vmem_shared>> -> memref<5000x128xf32, #tpu.memory_space<vmem_shared>>
      tpu.wait_indirect_dma semaphore(%arg12 : memref<!tpu.dma_semaphore, #tpu.memory_space<semaphore_mem>>) src(%dma_wait3A_475 : memref<5000x128xf32, #tpu.memory_space<vmem_shared>>) dst(%dma_wait3A_469 : memref<128x128xf32, #tpu.memory_space<vmem>>)
      %dma_start3A_476 = arith.constant 0 : i32
      %dma_start3A_477 = arith.constant 128 : i32
      %dma_start3A_478 = arith.constant 0 : i32
      %dma_start3A_479 = tpu.memref_slice %arg8[%dma_start3A_477, %dma_start3A_478] : memref<200x128xf32, #tpu.memory_space<vmem>> -> memref<72x128xf32, #tpu.memory_space<vmem>>
      %dma_start3A_480 = arith.constant 128 : i32
      %dma_start3A_481 = tpu.memref_slice %arg7[%dma_start3A_476, %dma_start3A_480] : memref<8x200xi32, #tpu.memory_space<vmem>> -> memref<1x72xi32, #tpu.memory_space<vmem>>
      %dma_start3A_482 = tpu.memref_squeeze %dma_start3A_481 : memref<1x72xi32, #tpu.memory_space<vmem>> -> memref<72xi32, #tpu.memory_space<vmem>>
      %dma_start3A_483 = arith.constant 0 : i32
      %dma_start3A_484 = arith.constant 0 : i32
      %dma_start3A_485 = tpu.memref_slice %arg5[%dma_start3A_483, %dma_start3A_484] : memref<5000x128xf32, #tpu.memory_space<vmem_shared>> -> memref<5000x128xf32, #tpu.memory_space<vmem_shared>>
      tpu.enqueue_indirect_dma source(%dma_start3A_485 : memref<5000x128xf32, #tpu.memory_space<vmem_shared>>) target(%dma_start3A_479 : memref<72x128xf32, #tpu.memory_space<vmem>>) offsets(%dma_start3A_482 : memref<72xi32, #tpu.memory_space<vmem>>) semaphore(%arg11 : memref<!tpu.dma_semaphore, #tpu.memory_space<semaphore_mem>>)
      %dma_wait3A_486 = arith.constant 0 : i32
      %dma_wait3A_487 = arith.constant 128 : i32
      %dma_wait3A_488 = arith.constant 0 : i32
      %dma_wait3A_489 = tpu.memref_slice %arg9[%dma_wait3A_487, %dma_wait3A_488] : memref<200x128xf32, #tpu.memory_space<vmem>> -> memref<72x128xf32, #tpu.memory_space<vmem>>
      %dma_wait3A_490 = arith.constant 0 : i32
      %dma_wait3A_491 = tpu.memref_slice %arg6[%dma_wait3A_486, %dma_wait3A_490] : memref<8x200xi32, #tpu.memory_space<vmem>> -> memref<1x72xi32, #tpu.memory_space<vmem>>
      %dma_wait3A_492 = tpu.memref_squeeze %dma_wait3A_491 : memref<1x72xi32, #tpu.memory_space<vmem>> -> memref<72xi32, #tpu.memory_space<vmem>>
      %dma_wait3A_493 = arith.constant 0 : i32
      %dma_wait3A_494 = arith.constant 0 : i32
      %dma_wait3A_495 = tpu.memref_slice %arg5[%dma_wait3A_493, %dma_wait3A_494] : memref<5000x128xf32, #tpu.memory_space<vmem_shared>> -> memref<5000x128xf32, #tpu.memory_space<vmem_shared>>
      tpu.wait_indirect_dma semaphore(%arg13 : memref<!tpu.dma_semaphore, #tpu.memory_space<semaphore_mem>>) src(%dma_wait3A_495 : memref<5000x128xf32, #tpu.memory_space<vmem_shared>>) dst(%dma_wait3A_489 : memref<72x128xf32, #tpu.memory_space<vmem>>)
      %add3A_496 = arith.constant 7 : i32
      %add3A_497 = arith.addi %add3A_61, %add3A_496 : i32
      %mul3A_498 = arith.constant 200 : i32
      %mul3A_499 = arith.muli %add3A_497, %mul3A_498 : i32
      %dma_start3A_500 = arith.constant 0 : i32
      %dma_start3A_501 = tpu.memref_slice %arg4[%mul3A_499, %dma_start3A_500] : memref<3276800x128xf32, #tpu.memory_space<hbm>> -> memref<200x128xf32, #tpu.memory_space<hbm>>
      %dma_start3A_502 = arith.constant 0 : i32
      %dma_start3A_503 = tpu.memref_slice %arg4[%mul3A_499, %dma_start3A_502] : memref<3276800x128xf32, #tpu.memory_space<hbm>> -> memref<200x128xf32, #tpu.memory_space<hbm>>
      tpu.enqueue_dma source(%arg9 : memref<200x128xf32, #tpu.memory_space<vmem>>) target(%dma_start3A_503 : memref<200x128xf32, #tpu.memory_space<hbm>>) target_semaphore(%arg15 : memref<!tpu.dma_semaphore, #tpu.memory_space<semaphore_mem>>)
      %add3A_504 = arith.constant 1 : i32
      %add3A_505 = arith.addi %scan3A_56, %add3A_504 : i32
      %min3A = arith.constant 31 : i32
      %min3A_506 = arith.minsi %add3A_505, %min3A : i32
      %mul3A_507 = arith.constant 2 : i32
      %mul3A_508 = arith.muli %min3A_506, %mul3A_507 : i32
      %mul3A_509 = arith.constant 8 : i32
      %mul3A_510 = arith.muli %mul3A_508, %mul3A_509 : i32
      %add3A_511 = arith.addi %mul3A_4, %mul3A_510 : i32
      %dma_start3A_512 = arith.constant 0 : i32
      %dma_start3A_513 = tpu.memref_slice %arg2[%add3A_511, %dma_start3A_512] : memref<16384x200xi32, #tpu.memory_space<hbm>> -> memref<8x200xi32, #tpu.memory_space<hbm>>
      %dma_start3A_514 = arith.constant 0 : i32
      %dma_start3A_515 = tpu.memref_slice %arg2[%add3A_511, %dma_start3A_514] : memref<16384x200xi32, #tpu.memory_space<hbm>> -> memref<8x200xi32, #tpu.memory_space<hbm>>
      tpu.enqueue_dma source(%dma_start3A_515 : memref<8x200xi32, #tpu.memory_space<hbm>>) target(%arg6 : memref<8x200xi32, #tpu.memory_space<vmem>>) target_semaphore(%arg16 : memref<!tpu.dma_semaphore, #tpu.memory_space<semaphore_mem>>)
      %dma_wait3A_516 = arith.constant 0 : i32
      %dma_wait3A_517 = arith.constant 0 : i32
      %dma_wait3A_518 = tpu.memref_slice %arg4[%dma_wait3A_516, %dma_wait3A_517] : memref<3276800x128xf32, #tpu.memory_space<hbm>> -> memref<200x128xf32, #tpu.memory_space<hbm>>
      %dma_wait3A_519 = arith.constant 0 : i32
      %dma_wait3A_520 = arith.constant 0 : i32
      %dma_wait3A_521 = tpu.memref_slice %arg4[%dma_wait3A_519, %dma_wait3A_520] : memref<3276800x128xf32, #tpu.memory_space<hbm>> -> memref<200x128xf32, #tpu.memory_space<hbm>>
      tpu.wait_dma2 semaphore(%arg15 : memref<!tpu.dma_semaphore, #tpu.memory_space<semaphore_mem>>) src(%arg9 : memref<200x128xf32, #tpu.memory_space<vmem>>) dst(%dma_wait3A_521 : memref<200x128xf32, #tpu.memory_space<hbm>>)
      %dma_start3A_522 = arith.constant 1 : i32
      %dma_start3A_523 = arith.constant 0 : i32
      %dma_start3A_524 = arith.constant 0 : i32
      %dma_start3A_525 = tpu.memref_slice %arg9[%dma_start3A_523, %dma_start3A_524] : memref<200x128xf32, #tpu.memory_space<vmem>> -> memref<128x128xf32, #tpu.memory_space<vmem>>
      %dma_start3A_526 = arith.constant 0 : i32
      %dma_start3A_527 = tpu.memref_slice %arg7[%dma_start3A_522, %dma_start3A_526] : memref<8x200xi32, #tpu.memory_space<vmem>> -> memref<1x128xi32, #tpu.memory_space<vmem>>
      %dma_start3A_528 = tpu.memref_squeeze %dma_start3A_527 : memref<1x128xi32, #tpu.memory_space<vmem>> -> memref<128xi32, #tpu.memory_space<vmem>>
      %dma_start3A_529 = arith.constant 0 : i32
      %dma_start3A_530 = arith.constant 0 : i32
      %dma_start3A_531 = tpu.memref_slice %arg5[%dma_start3A_529, %dma_start3A_530] : memref<5000x128xf32, #tpu.memory_space<vmem_shared>> -> memref<5000x128xf32, #tpu.memory_space<vmem_shared>>
      tpu.enqueue_indirect_dma source(%dma_start3A_531 : memref<5000x128xf32, #tpu.memory_space<vmem_shared>>) target(%dma_start3A_525 : memref<128x128xf32, #tpu.memory_space<vmem>>) offsets(%dma_start3A_528 : memref<128xi32, #tpu.memory_space<vmem>>) semaphore(%arg12 : memref<!tpu.dma_semaphore, #tpu.memory_space<semaphore_mem>>)
      %dma_wait3A_532 = arith.constant 0 : i32
      %dma_wait3A_533 = arith.constant 0 : i32
      %dma_wait3A_534 = arith.constant 0 : i32
      %dma_wait3A_535 = tpu.memref_slice %arg8[%dma_wait3A_533, %dma_wait3A_534] : memref<200x128xf32, #tpu.memory_space<vmem>> -> memref<128x128xf32, #tpu.memory_space<vmem>>
      %dma_wait3A_536 = arith.constant 0 : i32
      %dma_wait3A_537 = tpu.memref_slice %arg6[%dma_wait3A_532, %dma_wait3A_536] : memref<8x200xi32, #tpu.memory_space<vmem>> -> memref<1x128xi32, #tpu.memory_space<vmem>>
      %dma_wait3A_538 = tpu.memref_squeeze %dma_wait3A_537 : memref<1x128xi32, #tpu.memory_space<vmem>> -> memref<128xi32, #tpu.memory_space<vmem>>
      %dma_wait3A_539 = arith.constant 0 : i32
      %dma_wait3A_540 = arith.constant 0 : i32
      %dma_wait3A_541 = tpu.memref_slice %arg5[%dma_wait3A_539, %dma_wait3A_540] : memref<5000x128xf32, #tpu.memory_space<vmem_shared>> -> memref<5000x128xf32, #tpu.memory_space<vmem_shared>>
      tpu.wait_indirect_dma semaphore(%arg10 : memref<!tpu.dma_semaphore, #tpu.memory_space<semaphore_mem>>) src(%dma_wait3A_541 : memref<5000x128xf32, #tpu.memory_space<vmem_shared>>) dst(%dma_wait3A_535 : memref<128x128xf32, #tpu.memory_space<vmem>>)
      %dma_start3A_542 = arith.constant 1 : i32
      %dma_start3A_543 = arith.constant 128 : i32
      %dma_start3A_544 = arith.constant 0 : i32
      %dma_start3A_545 = tpu.memref_slice %arg9[%dma_start3A_543, %dma_start3A_544] : memref<200x128xf32, #tpu.memory_space<vmem>> -> memref<72x128xf32, #tpu.memory_space<vmem>>
      %dma_start3A_546 = arith.constant 128 : i32
      %dma_start3A_547 = tpu.memref_slice %arg7[%dma_start3A_542, %dma_start3A_546] : memref<8x200xi32, #tpu.memory_space<vmem>> -> memref<1x72xi32, #tpu.memory_space<vmem>>
      %dma_start3A_548 = tpu.memref_squeeze %dma_start3A_547 : memref<1x72xi32, #tpu.memory_space<vmem>> -> memref<72xi32, #tpu.memory_space<vmem>>
      %dma_start3A_549 = arith.constant 0 : i32
      %dma_start3A_550 = arith.constant 0 : i32
      %dma_start3A_551 = tpu.memref_slice %arg5[%dma_start3A_549, %dma_start3A_550] : memref<5000x128xf32, #tpu.memory_space<vmem_shared>> -> memref<5000x128xf32, #tpu.memory_space<vmem_shared>>
      tpu.enqueue_indirect_dma source(%dma_start3A_551 : memref<5000x128xf32, #tpu.memory_space<vmem_shared>>) target(%dma_start3A_545 : memref<72x128xf32, #tpu.memory_space<vmem>>) offsets(%dma_start3A_548 : memref<72xi32, #tpu.memory_space<vmem>>) semaphore(%arg13 : memref<!tpu.dma_semaphore, #tpu.memory_space<semaphore_mem>>)
      %dma_wait3A_552 = arith.constant 0 : i32
      %dma_wait3A_553 = arith.constant 128 : i32
      %dma_wait3A_554 = arith.constant 0 : i32
      %dma_wait3A_555 = tpu.memref_slice %arg8[%dma_wait3A_553, %dma_wait3A_554] : memref<200x128xf32, #tpu.memory_space<vmem>> -> memref<72x128xf32, #tpu.memory_space<vmem>>
      %dma_wait3A_556 = arith.constant 0 : i32
      %dma_wait3A_557 = tpu.memref_slice %arg6[%dma_wait3A_552, %dma_wait3A_556] : memref<8x200xi32, #tpu.memory_space<vmem>> -> memref<1x72xi32, #tpu.memory_space<vmem>>
      %dma_wait3A_558 = tpu.memref_squeeze %dma_wait3A_557 : memref<1x72xi32, #tpu.memory_space<vmem>> -> memref<72xi32, #tpu.memory_space<vmem>>
      %dma_wait3A_559 = arith.constant 0 : i32
      %dma_wait3A_560 = arith.constant 0 : i32
      %dma_wait3A_561 = tpu.memref_slice %arg5[%dma_wait3A_559, %dma_wait3A_560] : memref<5000x128xf32, #tpu.memory_space<vmem_shared>> -> memref<5000x128xf32, #tpu.memory_space<vmem_shared>>
      tpu.wait_indirect_dma semaphore(%arg11 : memref<!tpu.dma_semaphore, #tpu.memory_space<semaphore_mem>>) src(%dma_wait3A_561 : memref<5000x128xf32, #tpu.memory_space<vmem_shared>>) dst(%dma_wait3A_555 : memref<72x128xf32, #tpu.memory_space<vmem>>)
      %add3A_562 = arith.constant 8 : i32
      %add3A_563 = arith.addi %add3A_61, %add3A_562 : i32
      %mul3A_564 = arith.constant 200 : i32
      %mul3A_565 = arith.muli %add3A_563, %mul3A_564 : i32
      %dma_start3A_566 = arith.constant 0 : i32
      %dma_start3A_567 = tpu.memref_slice %arg4[%mul3A_565, %dma_start3A_566] : memref<3276800x128xf32, #tpu.memory_space<hbm>> -> memref<200x128xf32, #tpu.memory_space<hbm>>
      %dma_start3A_568 = arith.constant 0 : i32
      %dma_start3A_569 = tpu.memref_slice %arg4[%mul3A_565, %dma_start3A_568] : memref<3276800x128xf32, #tpu.memory_space<hbm>> -> memref<200x128xf32, #tpu.memory_space<hbm>>
      tpu.enqueue_dma source(%arg8 : memref<200x128xf32, #tpu.memory_space<vmem>>) target(%dma_start3A_569 : memref<200x128xf32, #tpu.memory_space<hbm>>) target_semaphore(%arg14 : memref<!tpu.dma_semaphore, #tpu.memory_space<semaphore_mem>>)
      %dma_wait3A_570 = arith.constant 0 : i32
      %dma_wait3A_571 = arith.constant 0 : i32
      %dma_wait3A_572 = tpu.memref_slice %arg4[%dma_wait3A_570, %dma_wait3A_571] : memref<3276800x128xf32, #tpu.memory_space<hbm>> -> memref<200x128xf32, #tpu.memory_space<hbm>>
      %dma_wait3A_573 = arith.constant 0 : i32
      %dma_wait3A_574 = arith.constant 0 : i32
      %dma_wait3A_575 = tpu.memref_slice %arg4[%dma_wait3A_573, %dma_wait3A_574] : memref<3276800x128xf32, #tpu.memory_space<hbm>> -> memref<200x128xf32, #tpu.memory_space<hbm>>
      tpu.wait_dma2 semaphore(%arg14 : memref<!tpu.dma_semaphore, #tpu.memory_space<semaphore_mem>>) src(%arg8 : memref<200x128xf32, #tpu.memory_space<vmem>>) dst(%dma_wait3A_575 : memref<200x128xf32, #tpu.memory_space<hbm>>)
      %dma_start3A_576 = arith.constant 2 : i32
      %dma_start3A_577 = arith.constant 0 : i32
      %dma_start3A_578 = arith.constant 0 : i32
      %dma_start3A_579 = tpu.memref_slice %arg8[%dma_start3A_577, %dma_start3A_578] : memref<200x128xf32, #tpu.memory_space<vmem>> -> memref<128x128xf32, #tpu.memory_space<vmem>>
      %dma_start3A_580 = arith.constant 0 : i32
      %dma_start3A_581 = tpu.memref_slice %arg7[%dma_start3A_576, %dma_start3A_580] : memref<8x200xi32, #tpu.memory_space<vmem>> -> memref<1x128xi32, #tpu.memory_space<vmem>>
      %dma_start3A_582 = tpu.memref_squeeze %dma_start3A_581 : memref<1x128xi32, #tpu.memory_space<vmem>> -> memref<128xi32, #tpu.memory_space<vmem>>
      %dma_start3A_583 = arith.constant 0 : i32
      %dma_start3A_584 = arith.constant 0 : i32
      %dma_start3A_585 = tpu.memref_slice %arg5[%dma_start3A_583, %dma_start3A_584] : memref<5000x128xf32, #tpu.memory_space<vmem_shared>> -> memref<5000x128xf32, #tpu.memory_space<vmem_shared>>
      tpu.enqueue_indirect_dma source(%dma_start3A_585 : memref<5000x128xf32, #tpu.memory_space<vmem_shared>>) target(%dma_start3A_579 : memref<128x128xf32, #tpu.memory_space<vmem>>) offsets(%dma_start3A_582 : memref<128xi32, #tpu.memory_space<vmem>>) semaphore(%arg10 : memref<!tpu.dma_semaphore, #tpu.memory_space<semaphore_mem>>)
      %dma_wait3A_586 = arith.constant 0 : i32
      %dma_wait3A_587 = arith.constant 0 : i32
      %dma_wait3A_588 = arith.constant 0 : i32
      %dma_wait3A_589 = tpu.memref_slice %arg9[%dma_wait3A_587, %dma_wait3A_588] : memref<200x128xf32, #tpu.memory_space<vmem>> -> memref<128x128xf32, #tpu.memory_space<vmem>>
      %dma_wait3A_590 = arith.constant 0 : i32
      %dma_wait3A_591 = tpu.memref_slice %arg6[%dma_wait3A_586, %dma_wait3A_590] : memref<8x200xi32, #tpu.memory_space<vmem>> -> memref<1x128xi32, #tpu.memory_space<vmem>>
      %dma_wait3A_592 = tpu.memref_squeeze %dma_wait3A_591 : memref<1x128xi32, #tpu.memory_space<vmem>> -> memref<128xi32, #tpu.memory_space<vmem>>
      %dma_wait3A_593 = arith.constant 0 : i32
      %dma_wait3A_594 = arith.constant 0 : i32
      %dma_wait3A_595 = tpu.memref_slice %arg5[%dma_wait3A_593, %dma_wait3A_594] : memref<5000x128xf32, #tpu.memory_space<vmem_shared>> -> memref<5000x128xf32, #tpu.memory_space<vmem_shared>>
      tpu.wait_indirect_dma semaphore(%arg12 : memref<!tpu.dma_semaphore, #tpu.memory_space<semaphore_mem>>) src(%dma_wait3A_595 : memref<5000x128xf32, #tpu.memory_space<vmem_shared>>) dst(%dma_wait3A_589 : memref<128x128xf32, #tpu.memory_space<vmem>>)
      %dma_start3A_596 = arith.constant 2 : i32
      %dma_start3A_597 = arith.constant 128 : i32
      %dma_start3A_598 = arith.constant 0 : i32
      %dma_start3A_599 = tpu.memref_slice %arg8[%dma_start3A_597, %dma_start3A_598] : memref<200x128xf32, #tpu.memory_space<vmem>> -> memref<72x128xf32, #tpu.memory_space<vmem>>
      %dma_start3A_600 = arith.constant 128 : i32
      %dma_start3A_601 = tpu.memref_slice %arg7[%dma_start3A_596, %dma_start3A_600] : memref<8x200xi32, #tpu.memory_space<vmem>> -> memref<1x72xi32, #tpu.memory_space<vmem>>
      %dma_start3A_602 = tpu.memref_squeeze %dma_start3A_601 : memref<1x72xi32, #tpu.memory_space<vmem>> -> memref<72xi32, #tpu.memory_space<vmem>>
      %dma_start3A_603 = arith.constant 0 : i32
      %dma_start3A_604 = arith.constant 0 : i32
      %dma_start3A_605 = tpu.memref_slice %arg5[%dma_start3A_603, %dma_start3A_604] : memref<5000x128xf32, #tpu.memory_space<vmem_shared>> -> memref<5000x128xf32, #tpu.memory_space<vmem_shared>>
      tpu.enqueue_indirect_dma source(%dma_start3A_605 : memref<5000x128xf32, #tpu.memory_space<vmem_shared>>) target(%dma_start3A_599 : memref<72x128xf32, #tpu.memory_space<vmem>>) offsets(%dma_start3A_602 : memref<72xi32, #tpu.memory_space<vmem>>) semaphore(%arg11 : memref<!tpu.dma_semaphore, #tpu.memory_space<semaphore_mem>>)
      %dma_wait3A_606 = arith.constant 0 : i32
      %dma_wait3A_607 = arith.constant 128 : i32
      %dma_wait3A_608 = arith.constant 0 : i32
      %dma_wait3A_609 = tpu.memref_slice %arg9[%dma_wait3A_607, %dma_wait3A_608] : memref<200x128xf32, #tpu.memory_space<vmem>> -> memref<72x128xf32, #tpu.memory_space<vmem>>
      %dma_wait3A_610 = arith.constant 0 : i32
      %dma_wait3A_611 = tpu.memref_slice %arg6[%dma_wait3A_606, %dma_wait3A_610] : memref<8x200xi32, #tpu.memory_space<vmem>> -> memref<1x72xi32, #tpu.memory_space<vmem>>
      %dma_wait3A_612 = tpu.memref_squeeze %dma_wait3A_611 : memref<1x72xi32, #tpu.memory_space<vmem>> -> memref<72xi32, #tpu.memory_space<vmem>>
      %dma_wait3A_613 = arith.constant 0 : i32
      %dma_wait3A_614 = arith.constant 0 : i32
      %dma_wait3A_615 = tpu.memref_slice %arg5[%dma_wait3A_613, %dma_wait3A_614] : memref<5000x128xf32, #tpu.memory_space<vmem_shared>> -> memref<5000x128xf32, #tpu.memory_space<vmem_shared>>
      tpu.wait_indirect_dma semaphore(%arg13 : memref<!tpu.dma_semaphore, #tpu.memory_space<semaphore_mem>>) src(%dma_wait3A_615 : memref<5000x128xf32, #tpu.memory_space<vmem_shared>>) dst(%dma_wait3A_609 : memref<72x128xf32, #tpu.memory_space<vmem>>)
      %add3A_616 = arith.constant 9 : i32
      %add3A_617 = arith.addi %add3A_61, %add3A_616 : i32
      %mul3A_618 = arith.constant 200 : i32
      %mul3A_619 = arith.muli %add3A_617, %mul3A_618 : i32
      %dma_start3A_620 = arith.constant 0 : i32
      %dma_start3A_621 = tpu.memref_slice %arg4[%mul3A_619, %dma_start3A_620] : memref<3276800x128xf32, #tpu.memory_space<hbm>> -> memref<200x128xf32, #tpu.memory_space<hbm>>
      %dma_start3A_622 = arith.constant 0 : i32
      %dma_start3A_623 = tpu.memref_slice %arg4[%mul3A_619, %dma_start3A_622] : memref<3276800x128xf32, #tpu.memory_space<hbm>> -> memref<200x128xf32, #tpu.memory_space<hbm>>
      tpu.enqueue_dma source(%arg9 : memref<200x128xf32, #tpu.memory_space<vmem>>) target(%dma_start3A_623 : memref<200x128xf32, #tpu.memory_space<hbm>>) target_semaphore(%arg15 : memref<!tpu.dma_semaphore, #tpu.memory_space<semaphore_mem>>)
      %dma_wait3A_624 = arith.constant 0 : i32
      %dma_wait3A_625 = arith.constant 0 : i32
      %dma_wait3A_626 = tpu.memref_slice %arg4[%dma_wait3A_624, %dma_wait3A_625] : memref<3276800x128xf32, #tpu.memory_space<hbm>> -> memref<200x128xf32, #tpu.memory_space<hbm>>
      %dma_wait3A_627 = arith.constant 0 : i32
      %dma_wait3A_628 = arith.constant 0 : i32
      %dma_wait3A_629 = tpu.memref_slice %arg4[%dma_wait3A_627, %dma_wait3A_628] : memref<3276800x128xf32, #tpu.memory_space<hbm>> -> memref<200x128xf32, #tpu.memory_space<hbm>>
      tpu.wait_dma2 semaphore(%arg15 : memref<!tpu.dma_semaphore, #tpu.memory_space<semaphore_mem>>) src(%arg9 : memref<200x128xf32, #tpu.memory_space<vmem>>) dst(%dma_wait3A_629 : memref<200x128xf32, #tpu.memory_space<hbm>>)
      %dma_start3A_630 = arith.constant 3 : i32
      %dma_start3A_631 = arith.constant 0 : i32
      %dma_start3A_632 = arith.constant 0 : i32
      %dma_start3A_633 = tpu.memref_slice %arg9[%dma_start3A_631, %dma_start3A_632] : memref<200x128xf32, #tpu.memory_space<vmem>> -> memref<128x128xf32, #tpu.memory_space<vmem>>
      %dma_start3A_634 = arith.constant 0 : i32
      %dma_start3A_635 = tpu.memref_slice %arg7[%dma_start3A_630, %dma_start3A_634] : memref<8x200xi32, #tpu.memory_space<vmem>> -> memref<1x128xi32, #tpu.memory_space<vmem>>
      %dma_start3A_636 = tpu.memref_squeeze %dma_start3A_635 : memref<1x128xi32, #tpu.memory_space<vmem>> -> memref<128xi32, #tpu.memory_space<vmem>>
      %dma_start3A_637 = arith.constant 0 : i32
      %dma_start3A_638 = arith.constant 0 : i32
      %dma_start3A_639 = tpu.memref_slice %arg5[%dma_start3A_637, %dma_start3A_638] : memref<5000x128xf32, #tpu.memory_space<vmem_shared>> -> memref<5000x128xf32, #tpu.memory_space<vmem_shared>>
      tpu.enqueue_indirect_dma source(%dma_start3A_639 : memref<5000x128xf32, #tpu.memory_space<vmem_shared>>) target(%dma_start3A_633 : memref<128x128xf32, #tpu.memory_space<vmem>>) offsets(%dma_start3A_636 : memref<128xi32, #tpu.memory_space<vmem>>) semaphore(%arg12 : memref<!tpu.dma_semaphore, #tpu.memory_space<semaphore_mem>>)
      %dma_wait3A_640 = arith.constant 0 : i32
      %dma_wait3A_641 = arith.constant 0 : i32
      %dma_wait3A_642 = arith.constant 0 : i32
      %dma_wait3A_643 = tpu.memref_slice %arg8[%dma_wait3A_641, %dma_wait3A_642] : memref<200x128xf32, #tpu.memory_space<vmem>> -> memref<128x128xf32, #tpu.memory_space<vmem>>
      %dma_wait3A_644 = arith.constant 0 : i32
      %dma_wait3A_645 = tpu.memref_slice %arg6[%dma_wait3A_640, %dma_wait3A_644] : memref<8x200xi32, #tpu.memory_space<vmem>> -> memref<1x128xi32, #tpu.memory_space<vmem>>
      %dma_wait3A_646 = tpu.memref_squeeze %dma_wait3A_645 : memref<1x128xi32, #tpu.memory_space<vmem>> -> memref<128xi32, #tpu.memory_space<vmem>>
      %dma_wait3A_647 = arith.constant 0 : i32
      %dma_wait3A_648 = arith.constant 0 : i32
      %dma_wait3A_649 = tpu.memref_slice %arg5[%dma_wait3A_647, %dma_wait3A_648] : memref<5000x128xf32, #tpu.memory_space<vmem_shared>> -> memref<5000x128xf32, #tpu.memory_space<vmem_shared>>
      tpu.wait_indirect_dma semaphore(%arg10 : memref<!tpu.dma_semaphore, #tpu.memory_space<semaphore_mem>>) src(%dma_wait3A_649 : memref<5000x128xf32, #tpu.memory_space<vmem_shared>>) dst(%dma_wait3A_643 : memref<128x128xf32, #tpu.memory_space<vmem>>)
      %dma_start3A_650 = arith.constant 3 : i32
      %dma_start3A_651 = arith.constant 128 : i32
      %dma_start3A_652 = arith.constant 0 : i32
      %dma_start3A_653 = tpu.memref_slice %arg9[%dma_start3A_651, %dma_start3A_652] : memref<200x128xf32, #tpu.memory_space<vmem>> -> memref<72x128xf32, #tpu.memory_space<vmem>>
      %dma_start3A_654 = arith.constant 128 : i32
      %dma_start3A_655 = tpu.memref_slice %arg7[%dma_start3A_650, %dma_start3A_654] : memref<8x200xi32, #tpu.memory_space<vmem>> -> memref<1x72xi32, #tpu.memory_space<vmem>>
      %dma_start3A_656 = tpu.memref_squeeze %dma_start3A_655 : memref<1x72xi32, #tpu.memory_space<vmem>> -> memref<72xi32, #tpu.memory_space<vmem>>
      %dma_start3A_657 = arith.constant 0 : i32
      %dma_start3A_658 = arith.constant 0 : i32
      %dma_start3A_659 = tpu.memref_slice %arg5[%dma_start3A_657, %dma_start3A_658] : memref<5000x128xf32, #tpu.memory_space<vmem_shared>> -> memref<5000x128xf32, #tpu.memory_space<vmem_shared>>
      tpu.enqueue_indirect_dma source(%dma_start3A_659 : memref<5000x128xf32, #tpu.memory_space<vmem_shared>>) target(%dma_start3A_653 : memref<72x128xf32, #tpu.memory_space<vmem>>) offsets(%dma_start3A_656 : memref<72xi32, #tpu.memory_space<vmem>>) semaphore(%arg13 : memref<!tpu.dma_semaphore, #tpu.memory_space<semaphore_mem>>)
      %dma_wait3A_660 = arith.constant 0 : i32
      %dma_wait3A_661 = arith.constant 128 : i32
      %dma_wait3A_662 = arith.constant 0 : i32
      %dma_wait3A_663 = tpu.memref_slice %arg8[%dma_wait3A_661, %dma_wait3A_662] : memref<200x128xf32, #tpu.memory_space<vmem>> -> memref<72x128xf32, #tpu.memory_space<vmem>>
      %dma_wait3A_664 = arith.constant 0 : i32
      %dma_wait3A_665 = tpu.memref_slice %arg6[%dma_wait3A_660, %dma_wait3A_664] : memref<8x200xi32, #tpu.memory_space<vmem>> -> memref<1x72xi32, #tpu.memory_space<vmem>>
      %dma_wait3A_666 = tpu.memref_squeeze %dma_wait3A_665 : memref<1x72xi32, #tpu.memory_space<vmem>> -> memref<72xi32, #tpu.memory_space<vmem>>
      %dma_wait3A_667 = arith.constant 0 : i32
      %dma_wait3A_668 = arith.constant 0 : i32
      %dma_wait3A_669 = tpu.memref_slice %arg5[%dma_wait3A_667, %dma_wait3A_668] : memref<5000x128xf32, #tpu.memory_space<vmem_shared>> -> memref<5000x128xf32, #tpu.memory_space<vmem_shared>>
      tpu.wait_indirect_dma semaphore(%arg11 : memref<!tpu.dma_semaphore, #tpu.memory_space<semaphore_mem>>) src(%dma_wait3A_669 : memref<5000x128xf32, #tpu.memory_space<vmem_shared>>) dst(%dma_wait3A_663 : memref<72x128xf32, #tpu.memory_space<vmem>>)
      %add3A_670 = arith.constant 10 : i32
      %add3A_671 = arith.addi %add3A_61, %add3A_670 : i32
      %mul3A_672 = arith.constant 200 : i32
      %mul3A_673 = arith.muli %add3A_671, %mul3A_672 : i32
      %dma_start3A_674 = arith.constant 0 : i32
      %dma_start3A_675 = tpu.memref_slice %arg4[%mul3A_673, %dma_start3A_674] : memref<3276800x128xf32, #tpu.memory_space<hbm>> -> memref<200x128xf32, #tpu.memory_space<hbm>>
      %dma_start3A_676 = arith.constant 0 : i32
      %dma_start3A_677 = tpu.memref_slice %arg4[%mul3A_673, %dma_start3A_676] : memref<3276800x128xf32, #tpu.memory_space<hbm>> -> memref<200x128xf32, #tpu.memory_space<hbm>>
      tpu.enqueue_dma source(%arg8 : memref<200x128xf32, #tpu.memory_space<vmem>>) target(%dma_start3A_677 : memref<200x128xf32, #tpu.memory_space<hbm>>) target_semaphore(%arg14 : memref<!tpu.dma_semaphore, #tpu.memory_space<semaphore_mem>>)
      %dma_wait3A_678 = arith.constant 0 : i32
      %dma_wait3A_679 = arith.constant 0 : i32
      %dma_wait3A_680 = tpu.memref_slice %arg4[%dma_wait3A_678, %dma_wait3A_679] : memref<3276800x128xf32, #tpu.memory_space<hbm>> -> memref<200x128xf32, #tpu.memory_space<hbm>>
      %dma_wait3A_681 = arith.constant 0 : i32
      %dma_wait3A_682 = arith.constant 0 : i32
      %dma_wait3A_683 = tpu.memref_slice %arg4[%dma_wait3A_681, %dma_wait3A_682] : memref<3276800x128xf32, #tpu.memory_space<hbm>> -> memref<200x128xf32, #tpu.memory_space<hbm>>
      tpu.wait_dma2 semaphore(%arg14 : memref<!tpu.dma_semaphore, #tpu.memory_space<semaphore_mem>>) src(%arg8 : memref<200x128xf32, #tpu.memory_space<vmem>>) dst(%dma_wait3A_683 : memref<200x128xf32, #tpu.memory_space<hbm>>)
      %dma_start3A_684 = arith.constant 4 : i32
      %dma_start3A_685 = arith.constant 0 : i32
      %dma_start3A_686 = arith.constant 0 : i32
      %dma_start3A_687 = tpu.memref_slice %arg8[%dma_start3A_685, %dma_start3A_686] : memref<200x128xf32, #tpu.memory_space<vmem>> -> memref<128x128xf32, #tpu.memory_space<vmem>>
      %dma_start3A_688 = arith.constant 0 : i32
      %dma_start3A_689 = tpu.memref_slice %arg7[%dma_start3A_684, %dma_start3A_688] : memref<8x200xi32, #tpu.memory_space<vmem>> -> memref<1x128xi32, #tpu.memory_space<vmem>>
      %dma_start3A_690 = tpu.memref_squeeze %dma_start3A_689 : memref<1x128xi32, #tpu.memory_space<vmem>> -> memref<128xi32, #tpu.memory_space<vmem>>
      %dma_start3A_691 = arith.constant 0 : i32
      %dma_start3A_692 = arith.constant 0 : i32
      %dma_start3A_693 = tpu.memref_slice %arg5[%dma_start3A_691, %dma_start3A_692] : memref<5000x128xf32, #tpu.memory_space<vmem_shared>> -> memref<5000x128xf32, #tpu.memory_space<vmem_shared>>
      tpu.enqueue_indirect_dma source(%dma_start3A_693 : memref<5000x128xf32, #tpu.memory_space<vmem_shared>>) target(%dma_start3A_687 : memref<128x128xf32, #tpu.memory_space<vmem>>) offsets(%dma_start3A_690 : memref<128xi32, #tpu.memory_space<vmem>>) semaphore(%arg10 : memref<!tpu.dma_semaphore, #tpu.memory_space<semaphore_mem>>)
      %dma_wait3A_694 = arith.constant 0 : i32
      %dma_wait3A_695 = arith.constant 0 : i32
      %dma_wait3A_696 = arith.constant 0 : i32
      %dma_wait3A_697 = tpu.memref_slice %arg9[%dma_wait3A_695, %dma_wait3A_696] : memref<200x128xf32, #tpu.memory_space<vmem>> -> memref<128x128xf32, #tpu.memory_space<vmem>>
      %dma_wait3A_698 = arith.constant 0 : i32
      %dma_wait3A_699 = tpu.memref_slice %arg6[%dma_wait3A_694, %dma_wait3A_698] : memref<8x200xi32, #tpu.memory_space<vmem>> -> memref<1x128xi32, #tpu.memory_space<vmem>>
      %dma_wait3A_700 = tpu.memref_squeeze %dma_wait3A_699 : memref<1x128xi32, #tpu.memory_space<vmem>> -> memref<128xi32, #tpu.memory_space<vmem>>
      %dma_wait3A_701 = arith.constant 0 : i32
      %dma_wait3A_702 = arith.constant 0 : i32
      %dma_wait3A_703 = tpu.memref_slice %arg5[%dma_wait3A_701, %dma_wait3A_702] : memref<5000x128xf32, #tpu.memory_space<vmem_shared>> -> memref<5000x128xf32, #tpu.memory_space<vmem_shared>>
      tpu.wait_indirect_dma semaphore(%arg12 : memref<!tpu.dma_semaphore, #tpu.memory_space<semaphore_mem>>) src(%dma_wait3A_703 : memref<5000x128xf32, #tpu.memory_space<vmem_shared>>) dst(%dma_wait3A_697 : memref<128x128xf32, #tpu.memory_space<vmem>>)
      %dma_start3A_704 = arith.constant 4 : i32
      %dma_start3A_705 = arith.constant 128 : i32
      %dma_start3A_706 = arith.constant 0 : i32
      %dma_start3A_707 = tpu.memref_slice %arg8[%dma_start3A_705, %dma_start3A_706] : memref<200x128xf32, #tpu.memory_space<vmem>> -> memref<72x128xf32, #tpu.memory_space<vmem>>
      %dma_start3A_708 = arith.constant 128 : i32
      %dma_start3A_709 = tpu.memref_slice %arg7[%dma_start3A_704, %dma_start3A_708] : memref<8x200xi32, #tpu.memory_space<vmem>> -> memref<1x72xi32, #tpu.memory_space<vmem>>
      %dma_start3A_710 = tpu.memref_squeeze %dma_start3A_709 : memref<1x72xi32, #tpu.memory_space<vmem>> -> memref<72xi32, #tpu.memory_space<vmem>>
      %dma_start3A_711 = arith.constant 0 : i32
      %dma_start3A_712 = arith.constant 0 : i32
      %dma_start3A_713 = tpu.memref_slice %arg5[%dma_start3A_711, %dma_start3A_712] : memref<5000x128xf32, #tpu.memory_space<vmem_shared>> -> memref<5000x128xf32, #tpu.memory_space<vmem_shared>>
      tpu.enqueue_indirect_dma source(%dma_start3A_713 : memref<5000x128xf32, #tpu.memory_space<vmem_shared>>) target(%dma_start3A_707 : memref<72x128xf32, #tpu.memory_space<vmem>>) offsets(%dma_start3A_710 : memref<72xi32, #tpu.memory_space<vmem>>) semaphore(%arg11 : memref<!tpu.dma_semaphore, #tpu.memory_space<semaphore_mem>>)
      %dma_wait3A_714 = arith.constant 0 : i32
      %dma_wait3A_715 = arith.constant 128 : i32
      %dma_wait3A_716 = arith.constant 0 : i32
      %dma_wait3A_717 = tpu.memref_slice %arg9[%dma_wait3A_715, %dma_wait3A_716] : memref<200x128xf32, #tpu.memory_space<vmem>> -> memref<72x128xf32, #tpu.memory_space<vmem>>
      %dma_wait3A_718 = arith.constant 0 : i32
      %dma_wait3A_719 = tpu.memref_slice %arg6[%dma_wait3A_714, %dma_wait3A_718] : memref<8x200xi32, #tpu.memory_space<vmem>> -> memref<1x72xi32, #tpu.memory_space<vmem>>
      %dma_wait3A_720 = tpu.memref_squeeze %dma_wait3A_719 : memref<1x72xi32, #tpu.memory_space<vmem>> -> memref<72xi32, #tpu.memory_space<vmem>>
      %dma_wait3A_721 = arith.constant 0 : i32
      %dma_wait3A_722 = arith.constant 0 : i32
      %dma_wait3A_723 = tpu.memref_slice %arg5[%dma_wait3A_721, %dma_wait3A_722] : memref<5000x128xf32, #tpu.memory_space<vmem_shared>> -> memref<5000x128xf32, #tpu.memory_space<vmem_shared>>
      tpu.wait_indirect_dma semaphore(%arg13 : memref<!tpu.dma_semaphore, #tpu.memory_space<semaphore_mem>>) src(%dma_wait3A_723 : memref<5000x128xf32, #tpu.memory_space<vmem_shared>>) dst(%dma_wait3A_717 : memref<72x128xf32, #tpu.memory_space<vmem>>)
      %add3A_724 = arith.constant 11 : i32
      %add3A_725 = arith.addi %add3A_61, %add3A_724 : i32
      %mul3A_726 = arith.constant 200 : i32
      %mul3A_727 = arith.muli %add3A_725, %mul3A_726 : i32
      %dma_start3A_728 = arith.constant 0 : i32
      %dma_start3A_729 = tpu.memref_slice %arg4[%mul3A_727, %dma_start3A_728] : memref<3276800x128xf32, #tpu.memory_space<hbm>> -> memref<200x128xf32, #tpu.memory_space<hbm>>
      %dma_start3A_730 = arith.constant 0 : i32
      %dma_start3A_731 = tpu.memref_slice %arg4[%mul3A_727, %dma_start3A_730] : memref<3276800x128xf32, #tpu.memory_space<hbm>> -> memref<200x128xf32, #tpu.memory_space<hbm>>
      tpu.enqueue_dma source(%arg9 : memref<200x128xf32, #tpu.memory_space<vmem>>) target(%dma_start3A_731 : memref<200x128xf32, #tpu.memory_space<hbm>>) target_semaphore(%arg15 : memref<!tpu.dma_semaphore, #tpu.memory_space<semaphore_mem>>)
      %dma_wait3A_732 = arith.constant 0 : i32
      %dma_wait3A_733 = arith.constant 0 : i32
      %dma_wait3A_734 = tpu.memref_slice %arg4[%dma_wait3A_732, %dma_wait3A_733] : memref<3276800x128xf32, #tpu.memory_space<hbm>> -> memref<200x128xf32, #tpu.memory_space<hbm>>
      %dma_wait3A_735 = arith.constant 0 : i32
      %dma_wait3A_736 = arith.constant 0 : i32
      %dma_wait3A_737 = tpu.memref_slice %arg4[%dma_wait3A_735, %dma_wait3A_736] : memref<3276800x128xf32, #tpu.memory_space<hbm>> -> memref<200x128xf32, #tpu.memory_space<hbm>>
      tpu.wait_dma2 semaphore(%arg15 : memref<!tpu.dma_semaphore, #tpu.memory_space<semaphore_mem>>) src(%arg9 : memref<200x128xf32, #tpu.memory_space<vmem>>) dst(%dma_wait3A_737 : memref<200x128xf32, #tpu.memory_space<hbm>>)
      %dma_start3A_738 = arith.constant 5 : i32
      %dma_start3A_739 = arith.constant 0 : i32
      %dma_start3A_740 = arith.constant 0 : i32
      %dma_start3A_741 = tpu.memref_slice %arg9[%dma_start3A_739, %dma_start3A_740] : memref<200x128xf32, #tpu.memory_space<vmem>> -> memref<128x128xf32, #tpu.memory_space<vmem>>
      %dma_start3A_742 = arith.constant 0 : i32
      %dma_start3A_743 = tpu.memref_slice %arg7[%dma_start3A_738, %dma_start3A_742] : memref<8x200xi32, #tpu.memory_space<vmem>> -> memref<1x128xi32, #tpu.memory_space<vmem>>
      %dma_start3A_744 = tpu.memref_squeeze %dma_start3A_743 : memref<1x128xi32, #tpu.memory_space<vmem>> -> memref<128xi32, #tpu.memory_space<vmem>>
      %dma_start3A_745 = arith.constant 0 : i32
      %dma_start3A_746 = arith.constant 0 : i32
      %dma_start3A_747 = tpu.memref_slice %arg5[%dma_start3A_745, %dma_start3A_746] : memref<5000x128xf32, #tpu.memory_space<vmem_shared>> -> memref<5000x128xf32, #tpu.memory_space<vmem_shared>>
      tpu.enqueue_indirect_dma source(%dma_start3A_747 : memref<5000x128xf32, #tpu.memory_space<vmem_shared>>) target(%dma_start3A_741 : memref<128x128xf32, #tpu.memory_space<vmem>>) offsets(%dma_start3A_744 : memref<128xi32, #tpu.memory_space<vmem>>) semaphore(%arg12 : memref<!tpu.dma_semaphore, #tpu.memory_space<semaphore_mem>>)
      %dma_wait3A_748 = arith.constant 0 : i32
      %dma_wait3A_749 = arith.constant 0 : i32
      %dma_wait3A_750 = arith.constant 0 : i32
      %dma_wait3A_751 = tpu.memref_slice %arg8[%dma_wait3A_749, %dma_wait3A_750] : memref<200x128xf32, #tpu.memory_space<vmem>> -> memref<128x128xf32, #tpu.memory_space<vmem>>
      %dma_wait3A_752 = arith.constant 0 : i32
      %dma_wait3A_753 = tpu.memref_slice %arg6[%dma_wait3A_748, %dma_wait3A_752] : memref<8x200xi32, #tpu.memory_space<vmem>> -> memref<1x128xi32, #tpu.memory_space<vmem>>
      %dma_wait3A_754 = tpu.memref_squeeze %dma_wait3A_753 : memref<1x128xi32, #tpu.memory_space<vmem>> -> memref<128xi32, #tpu.memory_space<vmem>>
      %dma_wait3A_755 = arith.constant 0 : i32
      %dma_wait3A_756 = arith.constant 0 : i32
      %dma_wait3A_757 = tpu.memref_slice %arg5[%dma_wait3A_755, %dma_wait3A_756] : memref<5000x128xf32, #tpu.memory_space<vmem_shared>> -> memref<5000x128xf32, #tpu.memory_space<vmem_shared>>
      tpu.wait_indirect_dma semaphore(%arg10 : memref<!tpu.dma_semaphore, #tpu.memory_space<semaphore_mem>>) src(%dma_wait3A_757 : memref<5000x128xf32, #tpu.memory_space<vmem_shared>>) dst(%dma_wait3A_751 : memref<128x128xf32, #tpu.memory_space<vmem>>)
      %dma_start3A_758 = arith.constant 5 : i32
      %dma_start3A_759 = arith.constant 128 : i32
      %dma_start3A_760 = arith.constant 0 : i32
      %dma_start3A_761 = tpu.memref_slice %arg9[%dma_start3A_759, %dma_start3A_760] : memref<200x128xf32, #tpu.memory_space<vmem>> -> memref<72x128xf32, #tpu.memory_space<vmem>>
      %dma_start3A_762 = arith.constant 128 : i32
      %dma_start3A_763 = tpu.memref_slice %arg7[%dma_start3A_758, %dma_start3A_762] : memref<8x200xi32, #tpu.memory_space<vmem>> -> memref<1x72xi32, #tpu.memory_space<vmem>>
      %dma_start3A_764 = tpu.memref_squeeze %dma_start3A_763 : memref<1x72xi32, #tpu.memory_space<vmem>> -> memref<72xi32, #tpu.memory_space<vmem>>
      %dma_start3A_765 = arith.constant 0 : i32
      %dma_start3A_766 = arith.constant 0 : i32
      %dma_start3A_767 = tpu.memref_slice %arg5[%dma_start3A_765, %dma_start3A_766] : memref<5000x128xf32, #tpu.memory_space<vmem_shared>> -> memref<5000x128xf32, #tpu.memory_space<vmem_shared>>
      tpu.enqueue_indirect_dma source(%dma_start3A_767 : memref<5000x128xf32, #tpu.memory_space<vmem_shared>>) target(%dma_start3A_761 : memref<72x128xf32, #tpu.memory_space<vmem>>) offsets(%dma_start3A_764 : memref<72xi32, #tpu.memory_space<vmem>>) semaphore(%arg13 : memref<!tpu.dma_semaphore, #tpu.memory_space<semaphore_mem>>)
      %dma_wait3A_768 = arith.constant 0 : i32
      %dma_wait3A_769 = arith.constant 128 : i32
      %dma_wait3A_770 = arith.constant 0 : i32
      %dma_wait3A_771 = tpu.memref_slice %arg8[%dma_wait3A_769, %dma_wait3A_770] : memref<200x128xf32, #tpu.memory_space<vmem>> -> memref<72x128xf32, #tpu.memory_space<vmem>>
      %dma_wait3A_772 = arith.constant 0 : i32
      %dma_wait3A_773 = tpu.memref_slice %arg6[%dma_wait3A_768, %dma_wait3A_772] : memref<8x200xi32, #tpu.memory_space<vmem>> -> memref<1x72xi32, #tpu.memory_space<vmem>>
      %dma_wait3A_774 = tpu.memref_squeeze %dma_wait3A_773 : memref<1x72xi32, #tpu.memory_space<vmem>> -> memref<72xi32, #tpu.memory_space<vmem>>
      %dma_wait3A_775 = arith.constant 0 : i32
      %dma_wait3A_776 = arith.constant 0 : i32
      %dma_wait3A_777 = tpu.memref_slice %arg5[%dma_wait3A_775, %dma_wait3A_776] : memref<5000x128xf32, #tpu.memory_space<vmem_shared>> -> memref<5000x128xf32, #tpu.memory_space<vmem_shared>>
      tpu.wait_indirect_dma semaphore(%arg11 : memref<!tpu.dma_semaphore, #tpu.memory_space<semaphore_mem>>) src(%dma_wait3A_777 : memref<5000x128xf32, #tpu.memory_space<vmem_shared>>) dst(%dma_wait3A_771 : memref<72x128xf32, #tpu.memory_space<vmem>>)
      %add3A_778 = arith.constant 12 : i32
      %add3A_779 = arith.addi %add3A_61, %add3A_778 : i32
      %mul3A_780 = arith.constant 200 : i32
      %mul3A_781 = arith.muli %add3A_779, %mul3A_780 : i32
      %dma_start3A_782 = arith.constant 0 : i32
      %dma_start3A_783 = tpu.memref_slice %arg4[%mul3A_781, %dma_start3A_782] : memref<3276800x128xf32, #tpu.memory_space<hbm>> -> memref<200x128xf32, #tpu.memory_space<hbm>>
      %dma_start3A_784 = arith.constant 0 : i32
      %dma_start3A_785 = tpu.memref_slice %arg4[%mul3A_781, %dma_start3A_784] : memref<3276800x128xf32, #tpu.memory_space<hbm>> -> memref<200x128xf32, #tpu.memory_space<hbm>>
      tpu.enqueue_dma source(%arg8 : memref<200x128xf32, #tpu.memory_space<vmem>>) target(%dma_start3A_785 : memref<200x128xf32, #tpu.memory_space<hbm>>) target_semaphore(%arg14 : memref<!tpu.dma_semaphore, #tpu.memory_space<semaphore_mem>>)
      %dma_wait3A_786 = arith.constant 0 : i32
      %dma_wait3A_787 = arith.constant 0 : i32
      %dma_wait3A_788 = tpu.memref_slice %arg4[%dma_wait3A_786, %dma_wait3A_787] : memref<3276800x128xf32, #tpu.memory_space<hbm>> -> memref<200x128xf32, #tpu.memory_space<hbm>>
      %dma_wait3A_789 = arith.constant 0 : i32
      %dma_wait3A_790 = arith.constant 0 : i32
      %dma_wait3A_791 = tpu.memref_slice %arg4[%dma_wait3A_789, %dma_wait3A_790] : memref<3276800x128xf32, #tpu.memory_space<hbm>> -> memref<200x128xf32, #tpu.memory_space<hbm>>
      tpu.wait_dma2 semaphore(%arg14 : memref<!tpu.dma_semaphore, #tpu.memory_space<semaphore_mem>>) src(%arg8 : memref<200x128xf32, #tpu.memory_space<vmem>>) dst(%dma_wait3A_791 : memref<200x128xf32, #tpu.memory_space<hbm>>)
      %dma_start3A_792 = arith.constant 6 : i32
      %dma_start3A_793 = arith.constant 0 : i32
      %dma_start3A_794 = arith.constant 0 : i32
      %dma_start3A_795 = tpu.memref_slice %arg8[%dma_start3A_793, %dma_start3A_794] : memref<200x128xf32, #tpu.memory_space<vmem>> -> memref<128x128xf32, #tpu.memory_space<vmem>>
      %dma_start3A_796 = arith.constant 0 : i32
      %dma_start3A_797 = tpu.memref_slice %arg7[%dma_start3A_792, %dma_start3A_796] : memref<8x200xi32, #tpu.memory_space<vmem>> -> memref<1x128xi32, #tpu.memory_space<vmem>>
      %dma_start3A_798 = tpu.memref_squeeze %dma_start3A_797 : memref<1x128xi32, #tpu.memory_space<vmem>> -> memref<128xi32, #tpu.memory_space<vmem>>
      %dma_start3A_799 = arith.constant 0 : i32
      %dma_start3A_800 = arith.constant 0 : i32
      %dma_start3A_801 = tpu.memref_slice %arg5[%dma_start3A_799, %dma_start3A_800] : memref<5000x128xf32, #tpu.memory_space<vmem_shared>> -> memref<5000x128xf32, #tpu.memory_space<vmem_shared>>
      tpu.enqueue_indirect_dma source(%dma_start3A_801 : memref<5000x128xf32, #tpu.memory_space<vmem_shared>>) target(%dma_start3A_795 : memref<128x128xf32, #tpu.memory_space<vmem>>) offsets(%dma_start3A_798 : memref<128xi32, #tpu.memory_space<vmem>>) semaphore(%arg10 : memref<!tpu.dma_semaphore, #tpu.memory_space<semaphore_mem>>)
      %dma_wait3A_802 = arith.constant 0 : i32
      %dma_wait3A_803 = arith.constant 0 : i32
      %dma_wait3A_804 = arith.constant 0 : i32
      %dma_wait3A_805 = tpu.memref_slice %arg9[%dma_wait3A_803, %dma_wait3A_804] : memref<200x128xf32, #tpu.memory_space<vmem>> -> memref<128x128xf32, #tpu.memory_space<vmem>>
      %dma_wait3A_806 = arith.constant 0 : i32
      %dma_wait3A_807 = tpu.memref_slice %arg6[%dma_wait3A_802, %dma_wait3A_806] : memref<8x200xi32, #tpu.memory_space<vmem>> -> memref<1x128xi32, #tpu.memory_space<vmem>>
      %dma_wait3A_808 = tpu.memref_squeeze %dma_wait3A_807 : memref<1x128xi32, #tpu.memory_space<vmem>> -> memref<128xi32, #tpu.memory_space<vmem>>
      %dma_wait3A_809 = arith.constant 0 : i32
      %dma_wait3A_810 = arith.constant 0 : i32
      %dma_wait3A_811 = tpu.memref_slice %arg5[%dma_wait3A_809, %dma_wait3A_810] : memref<5000x128xf32, #tpu.memory_space<vmem_shared>> -> memref<5000x128xf32, #tpu.memory_space<vmem_shared>>
      tpu.wait_indirect_dma semaphore(%arg12 : memref<!tpu.dma_semaphore, #tpu.memory_space<semaphore_mem>>) src(%dma_wait3A_811 : memref<5000x128xf32, #tpu.memory_space<vmem_shared>>) dst(%dma_wait3A_805 : memref<128x128xf32, #tpu.memory_space<vmem>>)
      %dma_start3A_812 = arith.constant 6 : i32
      %dma_start3A_813 = arith.constant 128 : i32
      %dma_start3A_814 = arith.constant 0 : i32
      %dma_start3A_815 = tpu.memref_slice %arg8[%dma_start3A_813, %dma_start3A_814] : memref<200x128xf32, #tpu.memory_space<vmem>> -> memref<72x128xf32, #tpu.memory_space<vmem>>
      %dma_start3A_816 = arith.constant 128 : i32
      %dma_start3A_817 = tpu.memref_slice %arg7[%dma_start3A_812, %dma_start3A_816] : memref<8x200xi32, #tpu.memory_space<vmem>> -> memref<1x72xi32, #tpu.memory_space<vmem>>
      %dma_start3A_818 = tpu.memref_squeeze %dma_start3A_817 : memref<1x72xi32, #tpu.memory_space<vmem>> -> memref<72xi32, #tpu.memory_space<vmem>>
      %dma_start3A_819 = arith.constant 0 : i32
      %dma_start3A_820 = arith.constant 0 : i32
      %dma_start3A_821 = tpu.memref_slice %arg5[%dma_start3A_819, %dma_start3A_820] : memref<5000x128xf32, #tpu.memory_space<vmem_shared>> -> memref<5000x128xf32, #tpu.memory_space<vmem_shared>>
      tpu.enqueue_indirect_dma source(%dma_start3A_821 : memref<5000x128xf32, #tpu.memory_space<vmem_shared>>) target(%dma_start3A_815 : memref<72x128xf32, #tpu.memory_space<vmem>>) offsets(%dma_start3A_818 : memref<72xi32, #tpu.memory_space<vmem>>) semaphore(%arg11 : memref<!tpu.dma_semaphore, #tpu.memory_space<semaphore_mem>>)
      %dma_wait3A_822 = arith.constant 0 : i32
      %dma_wait3A_823 = arith.constant 128 : i32
      %dma_wait3A_824 = arith.constant 0 : i32
      %dma_wait3A_825 = tpu.memref_slice %arg9[%dma_wait3A_823, %dma_wait3A_824] : memref<200x128xf32, #tpu.memory_space<vmem>> -> memref<72x128xf32, #tpu.memory_space<vmem>>
      %dma_wait3A_826 = arith.constant 0 : i32
      %dma_wait3A_827 = tpu.memref_slice %arg6[%dma_wait3A_822, %dma_wait3A_826] : memref<8x200xi32, #tpu.memory_space<vmem>> -> memref<1x72xi32, #tpu.memory_space<vmem>>
      %dma_wait3A_828 = tpu.memref_squeeze %dma_wait3A_827 : memref<1x72xi32, #tpu.memory_space<vmem>> -> memref<72xi32, #tpu.memory_space<vmem>>
      %dma_wait3A_829 = arith.constant 0 : i32
      %dma_wait3A_830 = arith.constant 0 : i32
      %dma_wait3A_831 = tpu.memref_slice %arg5[%dma_wait3A_829, %dma_wait3A_830] : memref<5000x128xf32, #tpu.memory_space<vmem_shared>> -> memref<5000x128xf32, #tpu.memory_space<vmem_shared>>
      tpu.wait_indirect_dma semaphore(%arg13 : memref<!tpu.dma_semaphore, #tpu.memory_space<semaphore_mem>>) src(%dma_wait3A_831 : memref<5000x128xf32, #tpu.memory_space<vmem_shared>>) dst(%dma_wait3A_825 : memref<72x128xf32, #tpu.memory_space<vmem>>)
      %add3A_832 = arith.constant 13 : i32
      %add3A_833 = arith.addi %add3A_61, %add3A_832 : i32
      %mul3A_834 = arith.constant 200 : i32
      %mul3A_835 = arith.muli %add3A_833, %mul3A_834 : i32
      %dma_start3A_836 = arith.constant 0 : i32
      %dma_start3A_837 = tpu.memref_slice %arg4[%mul3A_835, %dma_start3A_836] : memref<3276800x128xf32, #tpu.memory_space<hbm>> -> memref<200x128xf32, #tpu.memory_space<hbm>>
      %dma_start3A_838 = arith.constant 0 : i32
      %dma_start3A_839 = tpu.memref_slice %arg4[%mul3A_835, %dma_start3A_838] : memref<3276800x128xf32, #tpu.memory_space<hbm>> -> memref<200x128xf32, #tpu.memory_space<hbm>>
      tpu.enqueue_dma source(%arg9 : memref<200x128xf32, #tpu.memory_space<vmem>>) target(%dma_start3A_839 : memref<200x128xf32, #tpu.memory_space<hbm>>) target_semaphore(%arg15 : memref<!tpu.dma_semaphore, #tpu.memory_space<semaphore_mem>>)
      %dma_wait3A_840 = arith.constant 0 : i32
      %dma_wait3A_841 = arith.constant 0 : i32
      %dma_wait3A_842 = tpu.memref_slice %arg4[%dma_wait3A_840, %dma_wait3A_841] : memref<3276800x128xf32, #tpu.memory_space<hbm>> -> memref<200x128xf32, #tpu.memory_space<hbm>>
      %dma_wait3A_843 = arith.constant 0 : i32
      %dma_wait3A_844 = arith.constant 0 : i32
      %dma_wait3A_845 = tpu.memref_slice %arg4[%dma_wait3A_843, %dma_wait3A_844] : memref<3276800x128xf32, #tpu.memory_space<hbm>> -> memref<200x128xf32, #tpu.memory_space<hbm>>
      tpu.wait_dma2 semaphore(%arg15 : memref<!tpu.dma_semaphore, #tpu.memory_space<semaphore_mem>>) src(%arg9 : memref<200x128xf32, #tpu.memory_space<vmem>>) dst(%dma_wait3A_845 : memref<200x128xf32, #tpu.memory_space<hbm>>)
      %dma_start3A_846 = arith.constant 7 : i32
      %dma_start3A_847 = arith.constant 0 : i32
      %dma_start3A_848 = arith.constant 0 : i32
      %dma_start3A_849 = tpu.memref_slice %arg9[%dma_start3A_847, %dma_start3A_848] : memref<200x128xf32, #tpu.memory_space<vmem>> -> memref<128x128xf32, #tpu.memory_space<vmem>>
      %dma_start3A_850 = arith.constant 0 : i32
      %dma_start3A_851 = tpu.memref_slice %arg7[%dma_start3A_846, %dma_start3A_850] : memref<8x200xi32, #tpu.memory_space<vmem>> -> memref<1x128xi32, #tpu.memory_space<vmem>>
      %dma_start3A_852 = tpu.memref_squeeze %dma_start3A_851 : memref<1x128xi32, #tpu.memory_space<vmem>> -> memref<128xi32, #tpu.memory_space<vmem>>
      %dma_start3A_853 = arith.constant 0 : i32
      %dma_start3A_854 = arith.constant 0 : i32
      %dma_start3A_855 = tpu.memref_slice %arg5[%dma_start3A_853, %dma_start3A_854] : memref<5000x128xf32, #tpu.memory_space<vmem_shared>> -> memref<5000x128xf32, #tpu.memory_space<vmem_shared>>
      tpu.enqueue_indirect_dma source(%dma_start3A_855 : memref<5000x128xf32, #tpu.memory_space<vmem_shared>>) target(%dma_start3A_849 : memref<128x128xf32, #tpu.memory_space<vmem>>) offsets(%dma_start3A_852 : memref<128xi32, #tpu.memory_space<vmem>>) semaphore(%arg12 : memref<!tpu.dma_semaphore, #tpu.memory_space<semaphore_mem>>)
      %dma_wait3A_856 = arith.constant 0 : i32
      %dma_wait3A_857 = arith.constant 0 : i32
      %dma_wait3A_858 = arith.constant 0 : i32
      %dma_wait3A_859 = tpu.memref_slice %arg8[%dma_wait3A_857, %dma_wait3A_858] : memref<200x128xf32, #tpu.memory_space<vmem>> -> memref<128x128xf32, #tpu.memory_space<vmem>>
      %dma_wait3A_860 = arith.constant 0 : i32
      %dma_wait3A_861 = tpu.memref_slice %arg6[%dma_wait3A_856, %dma_wait3A_860] : memref<8x200xi32, #tpu.memory_space<vmem>> -> memref<1x128xi32, #tpu.memory_space<vmem>>
      %dma_wait3A_862 = tpu.memref_squeeze %dma_wait3A_861 : memref<1x128xi32, #tpu.memory_space<vmem>> -> memref<128xi32, #tpu.memory_space<vmem>>
      %dma_wait3A_863 = arith.constant 0 : i32
      %dma_wait3A_864 = arith.constant 0 : i32
      %dma_wait3A_865 = tpu.memref_slice %arg5[%dma_wait3A_863, %dma_wait3A_864] : memref<5000x128xf32, #tpu.memory_space<vmem_shared>> -> memref<5000x128xf32, #tpu.memory_space<vmem_shared>>
      tpu.wait_indirect_dma semaphore(%arg10 : memref<!tpu.dma_semaphore, #tpu.memory_space<semaphore_mem>>) src(%dma_wait3A_865 : memref<5000x128xf32, #tpu.memory_space<vmem_shared>>) dst(%dma_wait3A_859 : memref<128x128xf32, #tpu.memory_space<vmem>>)
      %dma_wait3A_866 = arith.constant 0 : i32
      %dma_wait3A_867 = arith.constant 0 : i32
      %dma_wait3A_868 = tpu.memref_slice %arg2[%dma_wait3A_866, %dma_wait3A_867] : memref<16384x200xi32, #tpu.memory_space<hbm>> -> memref<8x200xi32, #tpu.memory_space<hbm>>
      %dma_wait3A_869 = arith.constant 0 : i32
      %dma_wait3A_870 = arith.constant 0 : i32
      %dma_wait3A_871 = tpu.memref_slice %arg2[%dma_wait3A_869, %dma_wait3A_870] : memref<16384x200xi32, #tpu.memory_space<hbm>> -> memref<8x200xi32, #tpu.memory_space<hbm>>
      tpu.wait_dma2 semaphore(%arg16 : memref<!tpu.dma_semaphore, #tpu.memory_space<semaphore_mem>>) src(%dma_wait3A_871 : memref<8x200xi32, #tpu.memory_space<hbm>>) dst(%arg6 : memref<8x200xi32, #tpu.memory_space<vmem>>)
      %dma_start3A_872 = arith.constant 7 : i32
      %dma_start3A_873 = arith.constant 128 : i32
      %dma_start3A_874 = arith.constant 0 : i32
      %dma_start3A_875 = tpu.memref_slice %arg9[%dma_start3A_873, %dma_start3A_874] : memref<200x128xf32, #tpu.memory_space<vmem>> -> memref<72x128xf32, #tpu.memory_space<vmem>>
      %dma_start3A_876 = arith.constant 128 : i32
      %dma_start3A_877 = tpu.memref_slice %arg7[%dma_start3A_872, %dma_start3A_876] : memref<8x200xi32, #tpu.memory_space<vmem>> -> memref<1x72xi32, #tpu.memory_space<vmem>>
      %dma_start3A_878 = tpu.memref_squeeze %dma_start3A_877 : memref<1x72xi32, #tpu.memory_space<vmem>> -> memref<72xi32, #tpu.memory_space<vmem>>
      %dma_start3A_879 = arith.constant 0 : i32
      %dma_start3A_880 = arith.constant 0 : i32
      %dma_start3A_881 = tpu.memref_slice %arg5[%dma_start3A_879, %dma_start3A_880] : memref<5000x128xf32, #tpu.memory_space<vmem_shared>> -> memref<5000x128xf32, #tpu.memory_space<vmem_shared>>
      tpu.enqueue_indirect_dma source(%dma_start3A_881 : memref<5000x128xf32, #tpu.memory_space<vmem_shared>>) target(%dma_start3A_875 : memref<72x128xf32, #tpu.memory_space<vmem>>) offsets(%dma_start3A_878 : memref<72xi32, #tpu.memory_space<vmem>>) semaphore(%arg13 : memref<!tpu.dma_semaphore, #tpu.memory_space<semaphore_mem>>)
      %dma_wait3A_882 = arith.constant 0 : i32
      %dma_wait3A_883 = arith.constant 128 : i32
      %dma_wait3A_884 = arith.constant 0 : i32
      %dma_wait3A_885 = tpu.memref_slice %arg8[%dma_wait3A_883, %dma_wait3A_884] : memref<200x128xf32, #tpu.memory_space<vmem>> -> memref<72x128xf32, #tpu.memory_space<vmem>>
      %dma_wait3A_886 = arith.constant 0 : i32
      %dma_wait3A_887 = tpu.memref_slice %arg6[%dma_wait3A_882, %dma_wait3A_886] : memref<8x200xi32, #tpu.memory_space<vmem>> -> memref<1x72xi32, #tpu.memory_space<vmem>>
      %dma_wait3A_888 = tpu.memref_squeeze %dma_wait3A_887 : memref<1x72xi32, #tpu.memory_space<vmem>> -> memref<72xi32, #tpu.memory_space<vmem>>
      %dma_wait3A_889 = arith.constant 0 : i32
      %dma_wait3A_890 = arith.constant 0 : i32
      %dma_wait3A_891 = tpu.memref_slice %arg5[%dma_wait3A_889, %dma_wait3A_890] : memref<5000x128xf32, #tpu.memory_space<vmem_shared>> -> memref<5000x128xf32, #tpu.memory_space<vmem_shared>>
      tpu.wait_indirect_dma semaphore(%arg11 : memref<!tpu.dma_semaphore, #tpu.memory_space<semaphore_mem>>) src(%dma_wait3A_891 : memref<5000x128xf32, #tpu.memory_space<vmem_shared>>) dst(%dma_wait3A_885 : memref<72x128xf32, #tpu.memory_space<vmem>>)
      %add3A_892 = arith.constant 14 : i32
      %add3A_893 = arith.addi %add3A_61, %add3A_892 : i32
      %mul3A_894 = arith.constant 200 : i32
      %mul3A_895 = arith.muli %add3A_893, %mul3A_894 : i32
      %dma_start3A_896 = arith.constant 0 : i32
      %dma_start3A_897 = tpu.memref_slice %arg4[%mul3A_895, %dma_start3A_896] : memref<3276800x128xf32, #tpu.memory_space<hbm>> -> memref<200x128xf32, #tpu.memory_space<hbm>>
      %dma_start3A_898 = arith.constant 0 : i32
      %dma_start3A_899 = tpu.memref_slice %arg4[%mul3A_895, %dma_start3A_898] : memref<3276800x128xf32, #tpu.memory_space<hbm>> -> memref<200x128xf32, #tpu.memory_space<hbm>>
      tpu.enqueue_dma source(%arg8 : memref<200x128xf32, #tpu.memory_space<vmem>>) target(%dma_start3A_899 : memref<200x128xf32, #tpu.memory_space<hbm>>) target_semaphore(%arg14 : memref<!tpu.dma_semaphore, #tpu.memory_space<semaphore_mem>>)
      %dma_wait3A_900 = arith.constant 0 : i32
      %dma_wait3A_901 = arith.constant 0 : i32
      %dma_wait3A_902 = tpu.memref_slice %arg4[%dma_wait3A_900, %dma_wait3A_901] : memref<3276800x128xf32, #tpu.memory_space<hbm>> -> memref<200x128xf32, #tpu.memory_space<hbm>>
      %dma_wait3A_903 = arith.constant 0 : i32
      %dma_wait3A_904 = arith.constant 0 : i32
      %dma_wait3A_905 = tpu.memref_slice %arg4[%dma_wait3A_903, %dma_wait3A_904] : memref<3276800x128xf32, #tpu.memory_space<hbm>> -> memref<200x128xf32, #tpu.memory_space<hbm>>
      tpu.wait_dma2 semaphore(%arg14 : memref<!tpu.dma_semaphore, #tpu.memory_space<semaphore_mem>>) src(%arg8 : memref<200x128xf32, #tpu.memory_space<vmem>>) dst(%dma_wait3A_905 : memref<200x128xf32, #tpu.memory_space<hbm>>)
      %dma_start3A_906 = arith.constant 0 : i32
      %dma_start3A_907 = arith.constant 0 : i32
      %dma_start3A_908 = arith.constant 0 : i32
      %dma_start3A_909 = tpu.memref_slice %arg8[%dma_start3A_907, %dma_start3A_908] : memref<200x128xf32, #tpu.memory_space<vmem>> -> memref<128x128xf32, #tpu.memory_space<vmem>>
      %dma_start3A_910 = arith.constant 0 : i32
      %dma_start3A_911 = tpu.memref_slice %arg6[%dma_start3A_906, %dma_start3A_910] : memref<8x200xi32, #tpu.memory_space<vmem>> -> memref<1x128xi32, #tpu.memory_space<vmem>>
      %dma_start3A_912 = tpu.memref_squeeze %dma_start3A_911 : memref<1x128xi32, #tpu.memory_space<vmem>> -> memref<128xi32, #tpu.memory_space<vmem>>
      %dma_start3A_913 = arith.constant 0 : i32
      %dma_start3A_914 = arith.constant 0 : i32
      %dma_start3A_915 = tpu.memref_slice %arg5[%dma_start3A_913, %dma_start3A_914] : memref<5000x128xf32, #tpu.memory_space<vmem_shared>> -> memref<5000x128xf32, #tpu.memory_space<vmem_shared>>
      tpu.enqueue_indirect_dma source(%dma_start3A_915 : memref<5000x128xf32, #tpu.memory_space<vmem_shared>>) target(%dma_start3A_909 : memref<128x128xf32, #tpu.memory_space<vmem>>) offsets(%dma_start3A_912 : memref<128xi32, #tpu.memory_space<vmem>>) semaphore(%arg10 : memref<!tpu.dma_semaphore, #tpu.memory_space<semaphore_mem>>)
      %dma_wait3A_916 = arith.constant 0 : i32
      %dma_wait3A_917 = arith.constant 0 : i32
      %dma_wait3A_918 = arith.constant 0 : i32
      %dma_wait3A_919 = tpu.memref_slice %arg9[%dma_wait3A_917, %dma_wait3A_918] : memref<200x128xf32, #tpu.memory_space<vmem>> -> memref<128x128xf32, #tpu.memory_space<vmem>>
      %dma_wait3A_920 = arith.constant 0 : i32
      %dma_wait3A_921 = tpu.memref_slice %arg6[%dma_wait3A_916, %dma_wait3A_920] : memref<8x200xi32, #tpu.memory_space<vmem>> -> memref<1x128xi32, #tpu.memory_space<vmem>>
      %dma_wait3A_922 = tpu.memref_squeeze %dma_wait3A_921 : memref<1x128xi32, #tpu.memory_space<vmem>> -> memref<128xi32, #tpu.memory_space<vmem>>
      %dma_wait3A_923 = arith.constant 0 : i32
      %dma_wait3A_924 = arith.constant 0 : i32
      %dma_wait3A_925 = tpu.memref_slice %arg5[%dma_wait3A_923, %dma_wait3A_924] : memref<5000x128xf32, #tpu.memory_space<vmem_shared>> -> memref<5000x128xf32, #tpu.memory_space<vmem_shared>>
      tpu.wait_indirect_dma semaphore(%arg12 : memref<!tpu.dma_semaphore, #tpu.memory_space<semaphore_mem>>) src(%dma_wait3A_925 : memref<5000x128xf32, #tpu.memory_space<vmem_shared>>) dst(%dma_wait3A_919 : memref<128x128xf32, #tpu.memory_space<vmem>>)
      %dma_start3A_926 = arith.constant 0 : i32
      %dma_start3A_927 = arith.constant 128 : i32
      %dma_start3A_928 = arith.constant 0 : i32
      %dma_start3A_929 = tpu.memref_slice %arg8[%dma_start3A_927, %dma_start3A_928] : memref<200x128xf32, #tpu.memory_space<vmem>> -> memref<72x128xf32, #tpu.memory_space<vmem>>
      %dma_start3A_930 = arith.constant 128 : i32
      %dma_start3A_931 = tpu.memref_slice %arg6[%dma_start3A_926, %dma_start3A_930] : memref<8x200xi32, #tpu.memory_space<vmem>> -> memref<1x72xi32, #tpu.memory_space<vmem>>
      %dma_start3A_932 = tpu.memref_squeeze %dma_start3A_931 : memref<1x72xi32, #tpu.memory_space<vmem>> -> memref<72xi32, #tpu.memory_space<vmem>>
      %dma_start3A_933 = arith.constant 0 : i32
      %dma_start3A_934 = arith.constant 0 : i32
      %dma_start3A_935 = tpu.memref_slice %arg5[%dma_start3A_933, %dma_start3A_934] : memref<5000x128xf32, #tpu.memory_space<vmem_shared>> -> memref<5000x128xf32, #tpu.memory_space<vmem_shared>>
      tpu.enqueue_indirect_dma source(%dma_start3A_935 : memref<5000x128xf32, #tpu.memory_space<vmem_shared>>) target(%dma_start3A_929 : memref<72x128xf32, #tpu.memory_space<vmem>>) offsets(%dma_start3A_932 : memref<72xi32, #tpu.memory_space<vmem>>) semaphore(%arg11 : memref<!tpu.dma_semaphore, #tpu.memory_space<semaphore_mem>>)
      %dma_wait3A_936 = arith.constant 0 : i32
      %dma_wait3A_937 = arith.constant 128 : i32
      %dma_wait3A_938 = arith.constant 0 : i32
      %dma_wait3A_939 = tpu.memref_slice %arg9[%dma_wait3A_937, %dma_wait3A_938] : memref<200x128xf32, #tpu.memory_space<vmem>> -> memref<72x128xf32, #tpu.memory_space<vmem>>
      %dma_wait3A_940 = arith.constant 0 : i32
      %dma_wait3A_941 = tpu.memref_slice %arg6[%dma_wait3A_936, %dma_wait3A_940] : memref<8x200xi32, #tpu.memory_space<vmem>> -> memref<1x72xi32, #tpu.memory_space<vmem>>
      %dma_wait3A_942 = tpu.memref_squeeze %dma_wait3A_941 : memref<1x72xi32, #tpu.memory_space<vmem>> -> memref<72xi32, #tpu.memory_space<vmem>>
      %dma_wait3A_943 = arith.constant 0 : i32
      %dma_wait3A_944 = arith.constant 0 : i32
      %dma_wait3A_945 = tpu.memref_slice %arg5[%dma_wait3A_943, %dma_wait3A_944] : memref<5000x128xf32, #tpu.memory_space<vmem_shared>> -> memref<5000x128xf32, #tpu.memory_space<vmem_shared>>
      tpu.wait_indirect_dma semaphore(%arg13 : memref<!tpu.dma_semaphore, #tpu.memory_space<semaphore_mem>>) src(%dma_wait3A_945 : memref<5000x128xf32, #tpu.memory_space<vmem_shared>>) dst(%dma_wait3A_939 : memref<72x128xf32, #tpu.memory_space<vmem>>)
      %add3A_946 = arith.constant 15 : i32
      %add3A_947 = arith.addi %add3A_61, %add3A_946 : i32
      %mul3A_948 = arith.constant 200 : i32
      %mul3A_949 = arith.muli %add3A_947, %mul3A_948 : i32
      %dma_start3A_950 = arith.constant 0 : i32
      %dma_start3A_951 = tpu.memref_slice %arg4[%mul3A_949, %dma_start3A_950] : memref<3276800x128xf32, #tpu.memory_space<hbm>> -> memref<200x128xf32, #tpu.memory_space<hbm>>
      %dma_start3A_952 = arith.constant 0 : i32
      %dma_start3A_953 = tpu.memref_slice %arg4[%mul3A_949, %dma_start3A_952] : memref<3276800x128xf32, #tpu.memory_space<hbm>> -> memref<200x128xf32, #tpu.memory_space<hbm>>
      tpu.enqueue_dma source(%arg9 : memref<200x128xf32, #tpu.memory_space<vmem>>) target(%dma_start3A_953 : memref<200x128xf32, #tpu.memory_space<hbm>>) target_semaphore(%arg15 : memref<!tpu.dma_semaphore, #tpu.memory_space<semaphore_mem>>)
    }
    %scan3A_30 = arith.constant 32 : i32
    %dma_wait3A = arith.constant 0 : i32
    %dma_wait3A_31 = arith.constant 0 : i32
    %dma_wait3A_32 = arith.constant 0 : i32
    %dma_wait3A_33 = tpu.memref_slice %arg8[%dma_wait3A_31, %dma_wait3A_32] : memref<200x128xf32, #tpu.memory_space<vmem>> -> memref<128x128xf32, #tpu.memory_space<vmem>>
    %dma_wait3A_34 = arith.constant 0 : i32
    %dma_wait3A_35 = tpu.memref_slice %arg6[%dma_wait3A, %dma_wait3A_34] : memref<8x200xi32, #tpu.memory_space<vmem>> -> memref<1x128xi32, #tpu.memory_space<vmem>>
    %dma_wait3A_36 = tpu.memref_squeeze %dma_wait3A_35 : memref<1x128xi32, #tpu.memory_space<vmem>> -> memref<128xi32, #tpu.memory_space<vmem>>
    %dma_wait3A_37 = arith.constant 0 : i32
    %dma_wait3A_38 = arith.constant 0 : i32
    %dma_wait3A_39 = tpu.memref_slice %arg5[%dma_wait3A_37, %dma_wait3A_38] : memref<5000x128xf32, #tpu.memory_space<vmem_shared>> -> memref<5000x128xf32, #tpu.memory_space<vmem_shared>>
    tpu.wait_indirect_dma semaphore(%arg10 : memref<!tpu.dma_semaphore, #tpu.memory_space<semaphore_mem>>) src(%dma_wait3A_39 : memref<5000x128xf32, #tpu.memory_space<vmem_shared>>) dst(%dma_wait3A_33 : memref<128x128xf32, #tpu.memory_space<vmem>>)
    %dma_wait3A_40 = arith.constant 0 : i32
    %dma_wait3A_41 = arith.constant 128 : i32
    %dma_wait3A_42 = arith.constant 0 : i32
    %dma_wait3A_43 = tpu.memref_slice %arg8[%dma_wait3A_41, %dma_wait3A_42] : memref<200x128xf32, #tpu.memory_space<vmem>> -> memref<72x128xf32, #tpu.memory_space<vmem>>
    %dma_wait3A_44 = arith.constant 0 : i32
    %dma_wait3A_45 = tpu.memref_slice %arg6[%dma_wait3A_40, %dma_wait3A_44] : memref<8x200xi32, #tpu.memory_space<vmem>> -> memref<1x72xi32, #tpu.memory_space<vmem>>
    %dma_wait3A_46 = tpu.memref_squeeze %dma_wait3A_45 : memref<1x72xi32, #tpu.memory_space<vmem>> -> memref<72xi32, #tpu.memory_space<vmem>>
    %dma_wait3A_47 = arith.constant 0 : i32
    %dma_wait3A_48 = arith.constant 0 : i32
    %dma_wait3A_49 = tpu.memref_slice %arg5[%dma_wait3A_47, %dma_wait3A_48] : memref<5000x128xf32, #tpu.memory_space<vmem_shared>> -> memref<5000x128xf32, #tpu.memory_space<vmem_shared>>
    tpu.wait_indirect_dma semaphore(%arg11 : memref<!tpu.dma_semaphore, #tpu.memory_space<semaphore_mem>>) src(%dma_wait3A_49 : memref<5000x128xf32, #tpu.memory_space<vmem_shared>>) dst(%dma_wait3A_43 : memref<72x128xf32, #tpu.memory_space<vmem>>)
    %dma_wait3A_50 = arith.constant 0 : i32
    %dma_wait3A_51 = arith.constant 0 : i32
    %dma_wait3A_52 = tpu.memref_slice %arg4[%dma_wait3A_50, %dma_wait3A_51] : memref<3276800x128xf32, #tpu.memory_space<hbm>> -> memref<200x128xf32, #tpu.memory_space<hbm>>
    %dma_wait3A_53 = arith.constant 0 : i32
    %dma_wait3A_54 = arith.constant 0 : i32
    %dma_wait3A_55 = tpu.memref_slice %arg4[%dma_wait3A_53, %dma_wait3A_54] : memref<3276800x128xf32, #tpu.memory_space<hbm>> -> memref<200x128xf32, #tpu.memory_space<hbm>>
    tpu.wait_dma2 semaphore(%arg15 : memref<!tpu.dma_semaphore, #tpu.memory_space<semaphore_mem>>) src(%arg9 : memref<200x128xf32, #tpu.memory_space<vmem>>) dst(%dma_wait3A_55 : memref<200x128xf32, #tpu.memory_space<hbm>>)
    return
  }
}

</mosaic_0001>

<sc_bundles>
// kernel: kernel.3.cloned.1.call-start
scs
__scs_entry_jumppad:
0x0: {  	(pc) =	sbr.rel $0x88, $3  }
0x1: {  	(tag) =	ssettag $0x0;
	lr =	simm.s32 $0x1  }
0x2: {  	[smem:$0x3F9F] =	sst lr;
	_ =	strace $0xD0000000  }
0x3: {  	_ = 	snop  }
0x4: {  	_ = 	snop  }
0x5: {  	_ = 	snop  }
0x6: {  	_ = 	snop  }
0x7: {  	_ = 	snop  }
__scs_overlays_trampoline_lowered:
0x8: {  	[smem:$0x3FAE] =	sst s0  }
0x9: {  	[smem:$0x3FAF] =	sst s1  }
0xa: {  	[smem:$0x3FB0] =	sst s2  }
0xb: {  	[smem:$0x3FB1] =	sst s3  }
0xc: {  	[smem:$0x3FB2] =	sst s4  }
0xd: {  	[smem:$0x3FB3] =	sst s5  }
0xe: {  	[smem:$0x3FB4] =	sst s6  }
0xf: {  	[smem:$0x3FB5] =	sst s7  }
0x10: {  	[smem:$0x3FB6] =	sst s8  }
0x11: {  	[smem:$0x3FB7] =	sst s9;
	s0 =	simm.s32 @!p0 $0x0  }
0x12: {  	s1 =	sld [smem:$0x3F9D];
	s0 =	simm.s32 @p0 $0x1  }
0x13: {  	[smem:$0x3FB8] =	sst s0;
	s0 =	simm.s32 @!p1 $0x0  }
0x14: {  	s2 =	sld [smem:$0x3F9C];
	s0 =	simm.s32 @p1 $0x1  }
0x15: {  	[smem:$0x3FB9] =	sst s0;
	s0 =	simm.s32 @!p2 $0x0  }
0x16: {  	s3 =	sld [smem:$0x3FDB];
	s0 =	simm.s32 @p2 $0x1  }
0x17: {  	s4 =	simm.s32 $0x1BF5;
	[smem:$0x3FBB] =	sst s0  }
0x18: {  	s0 =	sld [smem:$0x3F9E];
	_ =	swait.ge [sflag:s4], $0x0  }
0x19: {  	s7 =	sld [smem:$0x3F9F]  }
0x1a: {  	s8 =	sadd.s32 $0xFFFFE003, lr  }
0x1b: {  	s9 =	sadd.s32 $0xFFFFFEF7, lr;
	s5 =	simm.s32 $0xFFFFFFFF;
	p2 =	slt.u32 s8, $0xFFFFF086  }
0x1c: {  	p1 =	slt.u32 s9, $0xF7A;
	s5 =	simm.s32 @!p2 $0x0  }
0x1d: {  	s5 =	simm.s32 @p1 $0x1;
	p0 =	seq.s32 s7, s2  }
0x1e: {  	s7 =	smul.u32 @!p0 $0xF7A, s2;
	p2 =	seq.s32 @!p0 s5, $0x0  }
0x1f: {  	s9 =	smul.u32 $0xF7A, s1;
	s8 =	simm.s32 @!p0 $0x1BF5;
	p2 =	por !p2, p0  }
0x20: {  	[sflag:s8] =	ssyncset.s32 @!p0 $0xFFFFF086;
	s6 =	sadd.s32 @!p0 s3, s7;
	s7 =	simm.s32 @!p0 $0x108  }
0x21: {  	s3 =	sadd.s32 s3, s9;
	s6 =	sadd.s32 @!p0 $0x88, s6;
	s7 =	simm.s32 @p2 $0x1082  }
0x22: {  	[simem:s7], [sflag:s8] =	dma.local @!p0 [hbm:s6], $0xF7A  }
0x23: {  	s9 =	sor.u32 $0xD0000000, s2;
	s6 =	simm.s32 $0x108;
	_ =	swait.ge @!p0 [sflag:s8], $0x0  }
0x24: {  	s3 =	sadd.s32 $0x88, s3;
	s6 =	simm.s32 @!p1 $0x1082;
	[sflag:s4] =	ssyncset.s32 $0xFFFFF086  }
0x25: {  	[simem:s6], [sflag:s4] =	dma.local [hbm:s3], $0xF7A  }
0x26: {  	[smem:$0x3F9F] =	sst s1;
	(tag) =	ssettag s2;
	_ =	strace s9  }
0x27: {  	s1 =	sld [smem:$0x3FAF]  }
0x28: {  	s2 =	sld [smem:$0x3FB0]  }
0x29: {  	s4 =	sld [smem:$0x3FB2]  }
0x2a: {  	p0 =	seq.s32 s5, $0x0;
	s5 =	sld [smem:$0x3FB3]  }
0x2b: {  	s6 =	sld [smem:$0x3FB4]  }
0x2c: {  	s7 =	sld [smem:$0x3FB5]  }
0x2d: {  	s3 =	simm.s32 $0x108;
	s8 =	sld [smem:$0x3FB6]  }
0x2e: {  	s3 =	simm.s32 @!p0 $0x1082;
	s9 =	sld [smem:$0x3FB7]  }
0x2f: {  	lr =	sadd.s32 s0, s3;
	s0 =	sld [smem:$0x3FAE]  }
0x30: {  	s3 =	sld [smem:$0x3FB1]  }
0x31: {  	[smem:$0x3FBA] =	sst s10  }
0x32: {  	s10 =	sld [smem:$0x3FB8];
	_ =	sdelay $0x3  }
0x33: {  	p0 =	seq.s32 s10, $0x1;
	s10 =	sld [smem:$0x3FBA];
	_ =	sdelay $0x3  }
0x34: {  	[smem:$0x3FBA] =	sst s10  }
0x35: {  	s10 =	sld [smem:$0x3FB9];
	_ =	sdelay $0x3  }
0x36: {  	p1 =	seq.s32 s10, $0x1;
	s10 =	sld [smem:$0x3FBA];
	_ =	sdelay $0x3  }
0x37: {  	[smem:$0x3FBA] =	sst s10  }
0x38: {  	s10 =	sld [smem:$0x3FBB]  }
0x39: {  	_ = 	snop;
	(pc) =	sbr.ind lr, $3  }
0x3a: {  	_ = 	snop  }
0x3b: {  	_ = 	snop  }
0x3c: {  	p2 =	seq.s32 s10, $0x1;
	s10 =	sld [smem:$0x3FBA]  }
0x3d: {  	_ =	shalt  }
0x3e: {  	_ =	shalt  }
0x3f: {  	_ =	shalt  }
0x40: {  	_ =	shalt  }
0x41: {  	_ =	shalt  }
0x42: {  	_ =	shalt  }
0x43: {  	_ =	shalt  }
0x44: {  	_ =	shalt  }
0x45: {  	_ =	shalt  }
0x46: {  	_ =	shalt  }
0x47: {  	_ =	shalt  }
0x48: {  	_ =	shalt  }
0x49: {  	_ =	shalt  }
0x4a: {  	_ =	shalt  }
0x4b: {  	_ =	shalt  }
0x4c: {  	_ =	shalt  }
0x4d: {  	_ =	shalt  }
0x4e: {  	_ =	shalt  }
0x4f: {  	_ =	shalt  }
0x50: {  	_ =	shalt  }
0x51: {  	_ =	shalt  }
0x52: {  	_ =	shalt  }
0x53: {  	_ =	shalt  }
0x54: {  	_ =	shalt  }
0x55: {  	_ =	shalt  }
0x56: {  	_ =	shalt  }
0x57: {  	_ =	shalt  }
0x58: {  	_ =	shalt  }
0x59: {  	_ =	shalt  }
0x5a: {  	_ =	shalt  }
0x5b: {  	_ =	shalt  }
0x5c: {  	_ =	shalt  }
0x5d: {  	_ =	shalt  }
0x5e: {  	_ =	shalt  }
0x5f: {  	_ =	shalt  }
0x60: {  	_ =	shalt  }
0x61: {  	_ =	shalt  }
0x62: {  	_ =	shalt  }
0x63: {  	_ =	shalt  }
0x64: {  	_ =	shalt  }
0x65: {  	_ =	shalt  }
0x66: {  	_ =	shalt  }
0x67: {  	_ =	shalt  }
0x68: {  	_ =	shalt  }
0x69: {  	_ =	shalt  }
0x6a: {  	_ =	shalt  }
0x6b: {  	_ =	shalt  }
0x6c: {  	_ =	shalt  }
0x6d: {  	_ =	shalt  }
0x6e: {  	_ =	shalt  }
0x6f: {  	_ =	shalt  }
0x70: {  	_ =	shalt  }
0x71: {  	_ =	shalt  }
0x72: {  	_ =	shalt  }
0x73: {  	_ =	shalt  }
0x74: {  	_ =	shalt  }
0x75: {  	_ =	shalt  }
0x76: {  	_ =	shalt  }
0x77: {  	_ =	shalt  }
0x78: {  	_ =	shalt  }
0x79: {  	_ =	shalt  }
0x7a: {  	_ =	shalt  }
0x7b: {  	_ =	shalt  }
0x7c: {  	_ =	shalt  }
0x7d: {  	_ =	shalt  }
0x7e: {  	_ =	shalt  }
0x7f: {  	_ =	shalt  }
0x80: {  	_ =	shalt  }
0x81: {  	_ =	shalt  }
0x82: {  	_ =	shalt  }
0x83: {  	_ =	shalt  }
0x84: {  	_ =	shalt  }
0x85: {  	_ =	shalt  }
0x86: {  	_ =	shalt  }
0x87: {  	_ =	shalt  }
.Lfunc_end0:
.L_simem_size_0:
called_computation_lowered:
.L_overlay_start_0:
0x88: {  	s2 =	sld [smem:$0x3FD9]  }
0x89: {  	s3 =	sld [smem:$0x3FFE];
	_ =	sdelay $0x1  }
0x8a: {  	s1 =	srdreg.scid  }
0x8b: {  	s0 =	sand.u32 $0x1, s1  }
0x8c: {  	s17 =	sshll.u32 s0, $0xA;
	s2 =	sadd.s32 s3, s2  }
0x8d: {  	s2 =	sadd.s32 s2, s17  }
0x8e: {  	[smem:$0x3FC6] =	sst s2  }
0x8f: {  	_ = 	snop  }
0x90: {  	s2 =	sld [smem:$0x3FC8]  }
0x91: {  	s18 =	sld [smem:$0x3FD0];
	(tm) =	ssettm $0x1  }
0x92: {  	s4 =	sld [smem:$0x3FFB];
	_ =	sdelay $0x3  }
0x93: {  	_ =	strace s4  }
0x94: {  	s4 =	sld [smem:$0x3FFC];
	_ =	sdelay $0x3  }
0x95: {  	_ =	strace s4  }
0x96: {  	s4 =	sld [smem:$0x3FFD];
	_ =	sdelay $0x3  }
0x97: {  	_ =	strace s4  }
0x98: {  	_ =	strace $0x8FFFFFFF  }
0x99: {  	s19 =	sld [smem:$0x3FDB];
	_ =	sdelay $0x1  }
0x9a: {  	s5 =	simm.s32 $_scs_section_size  }
0x9b: {  	s6 =	simm.s32 $_size__tile_overlayer_lowered;
	s7 =	simm.s32 $_tile_overlayer_lowered  }
0x9c: {  	s22 =	simm.s32 $0x1BFF;
	s21 =	sshll.u32 s7, $0x1;
	s4 =	sadd.s32 s5, s19  }
0x9d: {  	s8 =	simm.s32 $0x0;
	s20 =	sshll.u32 s6, $0x1;
	s6 =	sadd.s32 s21, s4  }
0x9e: {  	[timem:s8], [sflag:s22] =	dma.local [hbm:s6], s20  }
0x9f: {  	_ =	swait.ge [sflag:s22], s20  }
0xa0: {  	s5 =	ssub.s32 $0x0, s20;
	[sflag:s22] =	ssyncset.done $0x0  }
0xa1: {  	[sflag:s22] =	ssyncadd.s32 s5;
	_ =	sdelay $0x1  }
0xa2: {  	s23 =	simm.s32 $0x1B8B  }
0xa3: {  	_ =	swait.ge [sflag:s23], $0x1  }
0xa4: {  	[sflag:s23] =	ssyncset.done $0x0  }
0xa5: {  	s25 =	simm.s32 $0x1B8E;
	s24 =	sld [smem:$0x3FFE];
	[sflag:s23] =	ssyncadd.s32 $0xFFFFFFFF  }
0xa6: {  	s26 =	simm.s32 $execute0_lowered;
	[smem:$0x3FD2] =	sst s25  }
0xa7: {  	s6 =	sshll.u32 s26, $0x1;
	_ =	strace $0x80000046;
	[dreg:$0x1] =	wrdreg $0xFFFFFFFF  }
0xa8: {  	s28 =	simm.s32 $_size_execute0_lowered;
	s4 =	sadd.s32 s4, s6;
	[dreg:$0x0] =	wrdreg $0x0  }
0xa9: {  	s6 =	sshll.u32 s28, $0x1;
	[dreg:$0x2] =	wrdreg s4  }
0xaa: {  	[dreg:$0x3] =	wrdreg s6  }
0xab: {  	[dreg:$0x4] =	wrdreg $0xC0  }
0xac: {  	_ =	task [dreg:s8], $0x5FFFF  }
0xad: {  	[dreg:$0x1] =	wrdreg $0xFFFFFFFF  }
0xae: {  	[dreg:$0x0] =	wrdreg $0x60  }
0xaf: {  	[dreg:$0x2] =	wrdreg s24  }
0xb0: {  	[dreg:$0x3] =	wrdreg s2  }
0xb1: {  	[dreg:$0x4] =	wrdreg s18  }
0xb2: {  	[dreg:$0x5] =	wrdreg $0x0  }
0xb3: {  	[dreg:$0x6] =	wrdreg $0x9  }
0xb4: {  	_ =	task.clear_ibuf [dreg:s8], $0x7FFFF;
	_ =	strace $0x90000046  }
0xb5: {  	s29 =	simm.s32 $0x9;
	_ =	strace $0x80000048  }
0xb6: {  	_ =	swait.ge [sflag:s29], $0x1  }
0xb7: {  	[sflag:s29] =	ssyncadd.s32 $0xFFFFFFFF  }
0xb8: {  	_ =	strace $0x90000048  }
0xb9: {  	_ =	sfence  }
0xba: {  	s30 =	sld [smem:$0x0];
	_ =	sdelay $0x2  }
0xbb: {  	s31 =	sshll.u32 s1, $0xD;
	s1 =	sshrl.u32 s1, $0x2  }
0xbc: {  	s3 =	sand.u32 $0x4000, s31;
	s1 =	sadd.s32 s1, s30  }
0xbd: {  	s0 =	sor.u32 s3, s0;
	s1 =	sshll.u32 s1, $0x11  }
0xbe: {  	s0 =	sor.u32 s1, s0  }
0xbf: {  	s0 =	sadd.s32 $0x8F2B, s0  }
0xc0: {  	[sflag:s0] =	ssyncadd.remote.s32 $0x1  }
0xc1: {  	_ =	sfence.sel $0xFFFF  }
0xc2: {  	[dreg:$0x0] =	wrdreg $0xFFFFFFFF;
	(pc) =	sbr.abs _section_cstart, $3  }
0xc3: {  	[dreg:$0x1] =	wrdreg $0xFFFFFFFF  }
0xc4: {  	_ =	task.clear_ibuf [dreg:s8], $0x2FFFF;
	_ =	strace $0x9FFFFFFF  }
0xc5: {  	(tm) =	ssettm $0x7FFFFFFF  }
tec
execute0_lowered:
.L_overlay_start_1:
0x0: {  	(tag) =	ssettag $0x1  }
0x1: {  	s2 =	srdreg.scid;
	s1 =	stileid.u32  }
0x2: {  	s6 =	rddreg [dreg:$0x0];
	s4 =	sand.u32 $0x1, s2;
	s7 =	smul.u32 $0x1900000, s1  }
0x3: {  	s5 =	rddreg [dreg:$0x2];
	s8 =	smul.u32 $0xC80000, s4  }
0x4: {  	s3 =	simm.s32 $0x0;
	s2 =	rddreg [dreg:$0x3]  }
0x5: {  	[smem:$0x7FF] =	sst s3;
	s6 =	sadd.s32 $0x400, s6;
	s7 =	sadd.s32 s8, s7  }
0x6: {  	p0 =	sne.s32 s1, $0x0;
	_ =	strace $0x80000047;
	s8 =	sor.u32 $0x5DC00, s7  }
0x7: {  	s9 =	sor.u32 $0x57800, s7;
	s10 =	sor.u32 $0x51400, s7;
	s19 =	sor.u32 $0x4B000, s7  }
0x8: {  	s21 =	sor.u32 $0x44C00, s7;
	s22 =	sor.u32 $0x3E800, s7;
	s26 =	sor.u32 $0x38400, s7  }
0x9: {  	s29 =	sor.u32 $0x2BC00, s7;
	s30 =	sor.u32 $0x25800, s7;
	s12 =	sor.u32 $0x19000, s7  }
0xa: {  	s13 =	sor.u32 $0x12C00, s7;
	s8 =	sshrl.u32 s8, $0x3;
	s9 =	sshrl.u32 s9, $0x3  }
0xb: {  	s17 =	sshrl.u32 s10, $0x3;
	s24 =	sshrl.u32 s22, $0x3;
	s22 =	simm.s32 $0x9CC0  }
0xc: {  	s0 =	sshrl.u32 s30, $0x3;
	s30 =	simm.s32 $0x9DC0;
	[dreg:$0x14] =	wrdreg s22  }
0xd: {  	s15 =	sshrl.u32 s13, $0x3;
	s13 =	simm.s32 $0xA340;
	[dreg:$0x18] =	wrdreg s30  }
0xe: {  	s20 =	sshrl.u32 s19, $0x3;
	s8 =	sadd.s32 s8, s5;
	[dreg:$0x1f] =	wrdreg s13  }
0xf: {  	s28 =	sshrl.u32 s26, $0x3;
	s16 =	sadd.s32 s9, s5;
	[dreg:$0x5] =	wrdreg s8  }
0x10: {  	s10 =	sor.u32 $0x1F400, s7;
	s18 =	sadd.s32 s17, s5;
	[dreg:$0x6] =	wrdreg s16  }
0x11: {  	s19 =	smul.u32 $0x190000, s4;
	s25 =	sadd.s32 s24, s5;
	[dreg:$0x7] =	wrdreg s18  }
0x12: {  	s11 =	sshrl.u32 s10, $0x3;
	s10 =	simm.s32 $0x9EC0;
	[dreg:$0xa] =	wrdreg s25  }
0x13: {  	s26 =	sshll.u32 s4, $0xE;
	s22 =	simm.s32 $0xA9C0;
	[dreg:$0x1c] =	wrdreg s10  }
0x14: {  	s9 =	sshrl.u32 s21, $0x3;
	s30 =	simm.s32 $0xA7C0;
	[smem:$0x7F5] =	sst s22  }
0x15: {  	s17 =	sor.u32 $0xC800, s7;
	s8 =	sadd.s32 s20, s5;
	[smem:$0x7FC] =	sst s30  }
0x16: {  	s7 =	sor.u32 $0x6400, s7;
	s23 =	sadd.s32 s9, s5;
	[dreg:$0x8] =	wrdreg s8  }
0x17: {  	s24 =	sshll.u32 s1, $0xF;
	s16 =	sadd.s32 s15, s5;
	[dreg:$0x9] =	wrdreg s23  }
0x18: {  	s13 =	simm.s32 $0xA040;
	s25 =	simm.s32 $0x9D40;
	[dreg:$0x10] =	wrdreg s16  }
0x19: {  	s9 =	sshrl.u32 s29, $0x3;
	s15 =	simm.s32 $0xA3C0;
	[dreg:$0x16] =	wrdreg s25  }
0x1a: {  	s18 =	smul.u32 $0x320000, s1;
	s8 =	sadd.s32 s28, s5;
	[smem:$0x7EE] =	sst s15  }
0x1b: {  	s7 =	sshrl.u32 s7, $0x3;
	s31 =	sadd.s32 s9, s5;
	[dreg:$0xb] =	wrdreg s8  }
0x1c: {  	s20 =	ssub.s32 $0x2, s4;
	s9 =	sadd.s32 s0, s5;
	[dreg:$0xc] =	wrdreg s31  }
0x1d: {  	s29 =	sor.u32 s26, s24;
	s7 =	sadd.s32 s7, s5;
	[dreg:$0xd] =	wrdreg s9  }
0x1e: {  	s10 =	simm.s32 $0x80;
	s23 =	simm.s32 $0xA0C0;
	[dreg:$0x12] =	wrdreg s7  }
0x1f: {  	s22 =	simm.s32 $0x4;
	s28 =	simm.s32 $0xA140;
	[dreg:$0x15] =	wrdreg s23  }
0x20: {  	s4 =	sadd.s32 s6, s29;
	s16 =	simm.s32 $0xA840;
	[dreg:$0x17] =	wrdreg s28  }
0x21: {  	s6 =	sadd.s32 s24, s6;
	s24 =	simm.s32 $0xAA40;
	[smem:$0x7EF] =	sst s16  }
0x22: {  	s21 =	sshrl.u32 s20, $0x1;
	s25 =	simm.s32 $0xA6C0;
	[smem:$0x7F7] =	sst s24  }
0x23: {  	s15 =	simm.s32 $0xA440;
	s29 =	simm.s32 $0xAB40;
	[smem:$0x7F8] =	sst s25  }
0x24: {  	s8 =	sadd.s32 s11, s5;
	s9 =	sshrl.u32 s12, $0x3;
	[smem:$0x7FB] =	sst s29  }
0x25: {  	s7 =	ssub.s32 s20, s21;
	s31 =	simm.s32 $0xA1C0;
	[dreg:$0xe] =	wrdreg s8  }
0x26: {  	s6 =	sadd.s32 s26, s6;
	s11 =	simm.s32 $0xA2C0;
	[dreg:$0x19] =	wrdreg s31  }
0x27: {  	s12 =	simm.s32 $0x9F40;
	s20 =	simm.s32 $0xA940;
	[dreg:$0x1d] =	wrdreg s11  }
0x28: {  	s21 =	simm.s32 $0xA5C0;
	s16 =	simm.s32 $0x11040;
	[dreg:$0x1e] =	wrdreg s12  }
0x29: {  	s23 =	simm.s32 $0xA640;
	s26 =	simm.s32 $0xAAC0;
	[smem:$0x7F3] =	sst s20  }
0x2a: {  	s28 =	simm.s32 $0xA740;
	s24 =	simm.s32 $0x8;
	[smem:$0x7F4] =	sst s21  }
0x2b: {  	s25 =	simm.s32 $0x7;
	s14 =	sadd.s32 s9, s5;
	[smem:$0x7F6] =	sst s23  }
0x2c: {  	s8 =	sshrl.u32 s17, $0x3;
	s0 =	smax.u32 s7, $0x1;
	[smem:$0x7F9] =	sst s26  }
0x2d: {  	s6 =	sadd.s32 $0x100, s6;
	s7 =	sshrl.u32 @!p0 s2, $0x3;
	[smem:$0x7FA] =	sst s28  }
0x2e: {  	s9 =	simm.s32 $0x9;
	s11 =	simm.s32 $0xAC40;
	[dreg:$0xf] =	wrdreg s14  }
0x2f: {  	s17 =	simm.s32 $0xA4C0;
	s12 =	simm.s32 $0x48;
	[smem:$0x7EC] =	sst s0  }
0x30: {  	s20 =	simm.s32 $0x5;
	s31 =	simm.s32 $0xABC0;
	[smem:$0x7F0] =	sst s17  }
0x31: {  	s21 =	simm.s32 $0x3;
	s8 =	sadd.s32 s8, s5;
	[smem:$0x7FD] =	sst s31  }
0x32: {  	s23 =	simm.s32 $0x6;
	s14 =	simm.s32 $0x9FC0;
	[dreg:$0x11] =	wrdreg s8  }
0x33: {  	s5 =	sadd.s32 s18, s5;
	s18 =	simm.s32 $0xA8C0;
	[smem:$0x7ED] =	sst s14  }
0x34: {  	s26 =	simm.s32 $0x0;
	s5 =	sadd.s32 s19, s5;
	[smem:$0x7F1] =	sst s18  }
0x35: {  	s17 =	simm.s32 $0x1;
	s8 =	simm.s32 $0xA240;
	[dreg:$0x13] =	wrdreg s5  }
0x36: {  	s19 =	simm.s32 $0xA540;
	s14 =	simm.s32 $0xEC40;
	[dreg:$0x1b] =	wrdreg s8  }
0x37: {  	s18 =	simm.s32 $0x15040;
	s5 =	simm.s32 $0x9E40;
	[smem:$0x7F2] =	sst s19  }
0x38: {  	s8 =	simm.s32 $0x9C40;
	s19 =	simm.s32 $0x2;
	[dreg:$0x1a] =	wrdreg s5  }
.LBB2_1:
0x39: {  	s1 =	simm.s32 @!p0 $0x1C09;
	s0 =	rddreg [dreg:$0x1]  }
0x3a: {  	[spmem:s7], [sflag:s1] =	dma.local @!p0 [hbm:s0], $0x13880  }
0x3b: {  	s1 =	simm.s32 @!p0 $0x9  }
0x3c: {  	_ =	swait.ge @!p0 [sflag:s1], $0x13880  }
0x3d: {  	[sflag:s1] =	ssyncset.done @!p0 $0x0  }
0x3e: {  	[sflag:s1] =	ssyncadd.s32 @!p0 $0xFFFEC780  }
0x3f: {  	[bflag:$0x0] =	sbarrier.arrive $0xFFFF  }
0x40: {  	[tilespmem:s8], [sflag:$0x9] =	stream.linear.gather [hbm4b:s4+s3], $0x800, $0x38;
	[tilespmem:$0x17440] =	vst v63  }
0x41: {  	_ =	swait.ge [sflag:s9], $0x800  }
0x42: {  	[sflag:s9] =	ssyncset.done $0x0  }
0x43: {  	[sflag:s9] =	ssyncadd.s32 $0xFFFFF800  }
0x44: {  	[tilespmem:s11], [sflag:$0x1] =	stream.indirect.gather [spmem:s2], $0x80, s8, s10, $0xb8;
	[tilespmem:$0x17440] =	vst v63  }
0x45: {  	p1 =	por $0x1, $0x1  }
0x46: {  	[tilespmem:s14], [sflag:$0x2] =	stream.indirect.gather [spmem:s2], $0x80, s13, s12, $0xb8;
	[tilespmem:$0x17440] =	vst v63  }
0x47: {  	s1 =	simm.s32 @!p1 $0x6  }
0x48: {  	[tilespmem:s15], [sflag:$0x8] =	stream.linear.gather [hbm4b:s6+s3], $0x800, $0x38;
	[tilespmem:$0x17440] =	vst v63  }
0x49: {  	_ =	swait.ge @!p1 [sflag:s1], $0x6400  }
0x4a: {  	[sflag:s1] =	ssyncset.done @!p1 $0x0  }
0x4b: {  	s28 =	rddreg [dreg:$0x14];
	[sflag:s1] =	ssyncadd.s32 @!p1 $0xFFFF9C00  }
0x4c: {  	[tilespmem:s16], [sflag:$0x3] =	stream.indirect.gather [spmem:s2], $0x80, s28, s10, $0xb8;
	[tilespmem:$0x17440] =	vst v63  }
0x4d: {  	_ =	swait.ge [sflag:s17], $0x4000  }
0x4e: {  	[sflag:s17] =	ssyncset.done $0x0  }
0x4f: {  	s0 =	rddreg [dreg:$0x15];
	[sflag:s17] =	ssyncadd.s32 $0xFFFFC000  }
0x50: {  	[tilespmem:s18], [sflag:$0x4] =	stream.indirect.gather [spmem:s2], $0x80, s0, s12, $0xb8;
	[tilespmem:$0x17440] =	vst v63  }
0x51: {  	_ =	swait.ge [sflag:s19], $0x2400  }
0x52: {  	s5 =	rddreg [dreg:$0x13];
	[sflag:s19] =	ssyncset.done $0x0  }
0x53: {  	[sflag:s19] =	ssyncadd.s32 $0xFFFFDC00;
	s1 =	sadd.s32 $0x0, s5  }
0x54: {  	[hbm4b:s1+s3] =	stream.linear.scatter [tilespmem:s11], [sflag:$0x5], $0x6400, $0x38;
	[tilespmem:$0x17440] =	vst v63  }
0x55: {  	_ =	swait.ge [sflag:s20], $0x6400  }
0x56: {  	[sflag:s20] =	ssyncset.done $0x0  }
0x57: {  	s28 =	rddreg [dreg:$0x16];
	[sflag:s20] =	ssyncadd.s32 $0xFFFF9C00  }
0x58: {  	[tilespmem:s11], [sflag:$0x1] =	stream.indirect.gather [spmem:s2], $0x80, s28, s10, $0xb8;
	[tilespmem:$0x17440] =	vst v63  }
0x59: {  	_ =	swait.ge [sflag:s21], $0x4000  }
0x5a: {  	[sflag:s21] =	ssyncset.done $0x0  }
0x5b: {  	s28 =	rddreg [dreg:$0x17];
	[sflag:s21] =	ssyncadd.s32 $0xFFFFC000  }
0x5c: {  	[tilespmem:s14], [sflag:$0x2] =	stream.indirect.gather [spmem:s2], $0x80, s28, s12, $0xb8;
	[tilespmem:$0x17440] =	vst v63  }
0x5d: {  	_ =	swait.ge [sflag:s22], $0x2400  }
0x5e: {  	s28 =	rddreg [dreg:$0x12];
	[sflag:s22] =	ssyncset.done $0x0  }
0x5f: {  	[sflag:s22] =	ssyncadd.s32 $0xFFFFDC00;
	s28 =	sadd.s32 $0x0, s28  }
0x60: {  	[hbm4b:s28+s3] =	stream.linear.scatter [tilespmem:s16], [sflag:$0x6], $0x6400, $0x38;
	[tilespmem:$0x17440] =	vst v63  }
0x61: {  	_ =	swait.ge [sflag:s23], $0x6400  }
0x62: {  	[sflag:s23] =	ssyncset.done $0x0  }
0x63: {  	s28 =	rddreg [dreg:$0x18];
	[sflag:s23] =	ssyncadd.s32 $0xFFFF9C00  }
0x64: {  	[tilespmem:s16], [sflag:$0x3] =	stream.indirect.gather [spmem:s2], $0x80, s28, s10, $0xb8;
	[tilespmem:$0x17440] =	vst v63  }
0x65: {  	_ =	swait.ge [sflag:s17], $0x4000  }
0x66: {  	[sflag:s17] =	ssyncset.done $0x0  }
0x67: {  	s28 =	rddreg [dreg:$0x19];
	[sflag:s17] =	ssyncadd.s32 $0xFFFFC000  }
0x68: {  	[tilespmem:s18], [sflag:$0x4] =	stream.indirect.gather [spmem:s2], $0x80, s28, s12, $0xb8;
	[tilespmem:$0x17440] =	vst v63  }
0x69: {  	_ =	swait.ge [sflag:s19], $0x2400  }
0x6a: {  	s28 =	rddreg [dreg:$0x11];
	[sflag:s19] =	ssyncset.done $0x0  }
0x6b: {  	[sflag:s19] =	ssyncadd.s32 $0xFFFFDC00;
	s28 =	sadd.s32 $0x0, s28  }
0x6c: {  	[hbm4b:s28+s3] =	stream.linear.scatter [tilespmem:s11], [sflag:$0x5], $0x6400, $0x38;
	[tilespmem:$0x17440] =	vst v63  }
0x6d: {  	_ =	swait.ge [sflag:s20], $0x6400  }
0x6e: {  	[sflag:s20] =	ssyncset.done $0x0  }
0x6f: {  	s28 =	rddreg [dreg:$0x1a];
	[sflag:s20] =	ssyncadd.s32 $0xFFFF9C00  }
0x70: {  	[tilespmem:s11], [sflag:$0x1] =	stream.indirect.gather [spmem:s2], $0x80, s28, s10, $0xb8;
	[tilespmem:$0x17440] =	vst v63  }
0x71: {  	_ =	swait.ge [sflag:s21], $0x4000  }
0x72: {  	[sflag:s21] =	ssyncset.done $0x0  }
0x73: {  	s28 =	rddreg [dreg:$0x1b];
	[sflag:s21] =	ssyncadd.s32 $0xFFFFC000  }
0x74: {  	[tilespmem:s14], [sflag:$0x2] =	stream.indirect.gather [spmem:s2], $0x80, s28, s12, $0xb8;
	[tilespmem:$0x17440] =	vst v63  }
0x75: {  	_ =	swait.ge [sflag:s22], $0x2400  }
0x76: {  	s28 =	rddreg [dreg:$0x10];
	[sflag:s22] =	ssyncset.done $0x0  }
0x77: {  	[sflag:s22] =	ssyncadd.s32 $0xFFFFDC00;
	s28 =	sadd.s32 $0x0, s28  }
0x78: {  	[hbm4b:s28+s3] =	stream.linear.scatter [tilespmem:s16], [sflag:$0x6], $0x6400, $0x38;
	[tilespmem:$0x17440] =	vst v63  }
0x79: {  	_ =	swait.ge [sflag:s23], $0x6400  }
0x7a: {  	[sflag:s23] =	ssyncset.done $0x0  }
0x7b: {  	s28 =	rddreg [dreg:$0x1c];
	[sflag:s23] =	ssyncadd.s32 $0xFFFF9C00  }
0x7c: {  	[tilespmem:s16], [sflag:$0x3] =	stream.indirect.gather [spmem:s2], $0x80, s28, s10, $0xb8;
	[tilespmem:$0x17440] =	vst v63  }
0x7d: {  	_ =	swait.ge [sflag:s17], $0x4000  }
0x7e: {  	[sflag:s17] =	ssyncset.done $0x0  }
0x7f: {  	s28 =	rddreg [dreg:$0x1d];
	[sflag:s17] =	ssyncadd.s32 $0xFFFFC000  }
0x80: {  	[tilespmem:s18], [sflag:$0x4] =	stream.indirect.gather [spmem:s2], $0x80, s28, s12, $0xb8;
	[tilespmem:$0x17440] =	vst v63  }
0x81: {  	_ =	swait.ge [sflag:s19], $0x2400  }
0x82: {  	s28 =	rddreg [dreg:$0xf];
	[sflag:s19] =	ssyncset.done $0x0  }
0x83: {  	[sflag:s19] =	ssyncadd.s32 $0xFFFFDC00;
	s28 =	sadd.s32 $0x0, s28  }
0x84: {  	[hbm4b:s28+s3] =	stream.linear.scatter [tilespmem:s11], [sflag:$0x5], $0x6400, $0x38;
	[tilespmem:$0x17440] =	vst v63  }
0x85: {  	_ =	swait.ge [sflag:s20], $0x6400  }
0x86: {  	[sflag:s20] =	ssyncset.done $0x0  }
0x87: {  	s28 =	rddreg [dreg:$0x1e];
	[sflag:s20] =	ssyncadd.s32 $0xFFFF9C00  }
0x88: {  	[tilespmem:s11], [sflag:$0x1] =	stream.indirect.gather [spmem:s2], $0x80, s28, s10, $0xb8;
	[tilespmem:$0x17440] =	vst v63  }
0x89: {  	_ =	swait.ge [sflag:s21], $0x4000  }
0x8a: {  	[sflag:s21] =	ssyncset.done $0x0  }
0x8b: {  	s28 =	rddreg [dreg:$0x1f];
	[sflag:s21] =	ssyncadd.s32 $0xFFFFC000  }
0x8c: {  	[tilespmem:s14], [sflag:$0x2] =	stream.indirect.gather [spmem:s2], $0x80, s28, s12, $0xb8;
	[tilespmem:$0x17440] =	vst v63  }
0x8d: {  	_ =	swait.ge [sflag:s22], $0x2400  }
0x8e: {  	s28 =	rddreg [dreg:$0xe];
	[sflag:s22] =	ssyncset.done $0x0  }
0x8f: {  	[sflag:s22] =	ssyncadd.s32 $0xFFFFDC00;
	s28 =	sadd.s32 $0x0, s28  }
0x90: {  	[hbm4b:s28+s3] =	stream.linear.scatter [tilespmem:s16], [sflag:$0x6], $0x6400, $0x38;
	[tilespmem:$0x17440] =	vst v63  }
0x91: {  	_ =	swait.ge [sflag:s23], $0x6400  }
0x92: {  	s28 =	sld [smem:$0x7ED]  }
0x93: {  	[sflag:s23] =	ssyncset.done $0x0  }
0x94: {  	[sflag:s23] =	ssyncadd.s32 $0xFFFF9C00  }
0x95: {  	[tilespmem:s16], [sflag:$0x3] =	stream.indirect.gather [spmem:s2], $0x80, s28, s10, $0xb8;
	[tilespmem:$0x17440] =	vst v63  }
0x96: {  	_ =	swait.ge [sflag:s17], $0x4000  }
0x97: {  	[sflag:s17] =	ssyncset.done $0x0  }
0x98: {  	[sflag:s17] =	ssyncadd.s32 $0xFFFFC000  }
0x99: {  	_ =	swait.ge [sflag:s24], $0x800  }
0x9a: {  	s28 =	sld [smem:$0x7EE]  }
0x9b: {  	[sflag:s24] =	ssyncset.done $0x0  }
0x9c: {  	[sflag:s24] =	ssyncadd.s32 $0xFFFFF800  }
0x9d: {  	[tilespmem:s18], [sflag:$0x4] =	stream.indirect.gather [spmem:s2], $0x80, s28, s12, $0xb8;
	[tilespmem:$0x17440] =	vst v63  }
0x9e: {  	_ =	swait.ge [sflag:s19], $0x2400  }
0x9f: {  	s28 =	rddreg [dreg:$0xd];
	[sflag:s19] =	ssyncset.done $0x0  }
0xa0: {  	[sflag:s19] =	ssyncadd.s32 $0xFFFFDC00;
	s28 =	sadd.s32 $0x0, s28  }
0xa1: {  	[hbm4b:s28+s3] =	stream.linear.scatter [tilespmem:s11], [sflag:$0x5], $0x6400, $0x38;
	[tilespmem:$0x17440] =	vst v63  }
0xa2: {  	_ =	swait.ge [sflag:s20], $0x6400  }
0xa3: {  	[sflag:s20] =	ssyncset.done $0x0  }
0xa4: {  	[sflag:s20] =	ssyncadd.s32 $0xFFFF9C00  }
0xa5: {  	[tilespmem:s11], [sflag:$0x1] =	stream.indirect.gather [spmem:s2], $0x80, s15, s10, $0xb8;
	[tilespmem:$0x17440] =	vst v63  }
0xa6: {  	_ =	swait.ge [sflag:s21], $0x4000  }
0xa7: {  	s28 =	sld [smem:$0x7EF]  }
0xa8: {  	[sflag:s21] =	ssyncset.done $0x0  }
0xa9: {  	[sflag:s21] =	ssyncadd.s32 $0xFFFFC000  }
0xaa: {  	[tilespmem:s14], [sflag:$0x2] =	stream.indirect.gather [spmem:s2], $0x80, s28, s12, $0xb8;
	[tilespmem:$0x17440] =	vst v63  }
0xab: {  	_ =	swait.ge [sflag:s22], $0x2400  }
0xac: {  	s29 =	smin.u32 s17, $0x1F;
	s28 =	rddreg [dreg:$0xc];
	[sflag:s22] =	ssyncset.done $0x0  }
0xad: {  	s29 =	sshll.u32 s29, $0x9;
	[sflag:s22] =	ssyncadd.s32 $0xFFFFDC00;
	s28 =	sadd.s32 $0x0, s28  }
0xae: {  	[hbm4b:s28+s3] =	stream.linear.scatter [tilespmem:s16], [sflag:$0x6], $0x6400, $0x38;
	[tilespmem:$0x17440] =	vst v63  }
0xaf: {  	s28 =	sadd.s32 s29, s4  }
0xb0: {  	[tilespmem:s8], [sflag:$0x7] =	stream.linear.gather [hbm4b:s28+s3], $0x800, $0x38;
	[tilespmem:$0x17440] =	vst v63  }
0xb1: {  	_ =	swait.ge [sflag:s23], $0x6400  }
0xb2: {  	s28 =	sld [smem:$0x7F0]  }
0xb3: {  	[sflag:s23] =	ssyncset.done $0x0  }
0xb4: {  	[sflag:s23] =	ssyncadd.s32 $0xFFFF9C00  }
0xb5: {  	[tilespmem:s16], [sflag:$0x3] =	stream.indirect.gather [spmem:s2], $0x80, s28, s10, $0xb8;
	[tilespmem:$0x17440] =	vst v63  }
0xb6: {  	_ =	swait.ge [sflag:s17], $0x4000  }
0xb7: {  	s28 =	sld [smem:$0x7F1]  }
0xb8: {  	[sflag:s17] =	ssyncset.done $0x0  }
0xb9: {  	[sflag:s17] =	ssyncadd.s32 $0xFFFFC000  }
0xba: {  	[tilespmem:s18], [sflag:$0x4] =	stream.indirect.gather [spmem:s2], $0x80, s28, s12, $0xb8;
	[tilespmem:$0x17440] =	vst v63  }
0xbb: {  	_ =	swait.ge [sflag:s19], $0x2400  }
0xbc: {  	[sflag:s19] =	ssyncset.done $0x0  }
0xbd: {  	s1 =	sadd.s32 $0x6400, s1;
	[sflag:s19] =	ssyncadd.s32 $0xFFFFDC00  }
0xbe: {  	[hbm4b:s1+s3] =	stream.linear.scatter [tilespmem:s11], [sflag:$0x5], $0x6400, $0x38;
	[tilespmem:$0x17440] =	vst v63  }
0xbf: {  	_ =	swait.ge [sflag:s20], $0x6400  }
0xc0: {  	s0 =	sld [smem:$0x7F2]  }
0xc1: {  	[sflag:s20] =	ssyncset.done $0x0  }
0xc2: {  	[sflag:s20] =	ssyncadd.s32 $0xFFFF9C00  }
0xc3: {  	[tilespmem:s11], [sflag:$0x1] =	stream.indirect.gather [spmem:s2], $0x80, s0, s10, $0xb8;
	[tilespmem:$0x17440] =	vst v63  }
0xc4: {  	_ =	swait.ge [sflag:s21], $0x4000  }
0xc5: {  	s5 =	sld [smem:$0x7F3]  }
0xc6: {  	[sflag:s21] =	ssyncset.done $0x0  }
0xc7: {  	[sflag:s21] =	ssyncadd.s32 $0xFFFFC000  }
0xc8: {  	[tilespmem:s14], [sflag:$0x2] =	stream.indirect.gather [spmem:s2], $0x80, s5, s12, $0xb8;
	[tilespmem:$0x17440] =	vst v63  }
0xc9: {  	_ =	swait.ge [sflag:s22], $0x2400  }
0xca: {  	s0 =	rddreg [dreg:$0xb];
	[sflag:s22] =	ssyncset.done $0x0  }
0xcb: {  	[sflag:s22] =	ssyncadd.s32 $0xFFFFDC00;
	s1 =	sadd.s32 $0x0, s0  }
0xcc: {  	[hbm4b:s1+s3] =	stream.linear.scatter [tilespmem:s16], [sflag:$0x6], $0x6400, $0x38;
	[tilespmem:$0x17440] =	vst v63  }
0xcd: {  	_ =	swait.ge [sflag:s23], $0x6400  }
0xce: {  	s5 =	sld [smem:$0x7F4]  }
0xcf: {  	[sflag:s23] =	ssyncset.done $0x0  }
0xd0: {  	[sflag:s23] =	ssyncadd.s32 $0xFFFF9C00  }
0xd1: {  	[tilespmem:s16], [sflag:$0x3] =	stream.indirect.gather [spmem:s2], $0x80, s5, s10, $0xb8;
	[tilespmem:$0x17440] =	vst v63  }
0xd2: {  	_ =	swait.ge [sflag:s17], $0x4000  }
0xd3: {  	s0 =	sld [smem:$0x7F5]  }
0xd4: {  	[sflag:s17] =	ssyncset.done $0x0  }
0xd5: {  	[sflag:s17] =	ssyncadd.s32 $0xFFFFC000  }
0xd6: {  	[tilespmem:s18], [sflag:$0x4] =	stream.indirect.gather [spmem:s2], $0x80, s0, s12, $0xb8;
	[tilespmem:$0x17440] =	vst v63  }
0xd7: {  	_ =	swait.ge [sflag:s19], $0x2400  }
0xd8: {  	s5 =	rddreg [dreg:$0xa];
	[sflag:s19] =	ssyncset.done $0x0  }
0xd9: {  	[sflag:s19] =	ssyncadd.s32 $0xFFFFDC00;
	s1 =	sadd.s32 $0x0, s5  }
0xda: {  	[hbm4b:s1+s3] =	stream.linear.scatter [tilespmem:s11], [sflag:$0x5], $0x6400, $0x38;
	[tilespmem:$0x17440] =	vst v63  }
0xdb: {  	_ =	swait.ge [sflag:s20], $0x6400  }
0xdc: {  	s0 =	sld [smem:$0x7F6]  }
0xdd: {  	[sflag:s20] =	ssyncset.done $0x0  }
0xde: {  	[sflag:s20] =	ssyncadd.s32 $0xFFFF9C00  }
0xdf: {  	[tilespmem:s11], [sflag:$0x1] =	stream.indirect.gather [spmem:s2], $0x80, s0, s10, $0xb8;
	[tilespmem:$0x17440] =	vst v63  }
0xe0: {  	_ =	swait.ge [sflag:s21], $0x4000  }
0xe1: {  	s5 =	sld [smem:$0x7F7]  }
0xe2: {  	[sflag:s21] =	ssyncset.done $0x0  }
0xe3: {  	[sflag:s21] =	ssyncadd.s32 $0xFFFFC000  }
0xe4: {  	[tilespmem:s14], [sflag:$0x2] =	stream.indirect.gather [spmem:s2], $0x80, s5, s12, $0xb8;
	[tilespmem:$0x17440] =	vst v63  }
0xe5: {  	_ =	swait.ge [sflag:s22], $0x2400  }
0xe6: {  	s0 =	rddreg [dreg:$0x9];
	[sflag:s22] =	ssyncset.done $0x0  }
0xe7: {  	[sflag:s22] =	ssyncadd.s32 $0xFFFFDC00;
	s1 =	sadd.s32 $0x0, s0  }
0xe8: {  	[hbm4b:s1+s3] =	stream.linear.scatter [tilespmem:s16], [sflag:$0x6], $0x6400, $0x38;
	[tilespmem:$0x17440] =	vst v63  }
0xe9: {  	_ =	swait.ge [sflag:s23], $0x6400  }
0xea: {  	s5 =	sld [smem:$0x7F8]  }
0xeb: {  	[sflag:s23] =	ssyncset.done $0x0  }
0xec: {  	[sflag:s23] =	ssyncadd.s32 $0xFFFF9C00  }
0xed: {  	[tilespmem:s16], [sflag:$0x3] =	stream.indirect.gather [spmem:s2], $0x80, s5, s10, $0xb8;
	[tilespmem:$0x17440] =	vst v63  }
0xee: {  	_ =	swait.ge [sflag:s17], $0x4000  }
0xef: {  	s0 =	sld [smem:$0x7F9]  }
0xf0: {  	[sflag:s17] =	ssyncset.done $0x0  }
0xf1: {  	[sflag:s17] =	ssyncadd.s32 $0xFFFFC000  }
0xf2: {  	[tilespmem:s18], [sflag:$0x4] =	stream.indirect.gather [spmem:s2], $0x80, s0, s12, $0xb8;
	[tilespmem:$0x17440] =	vst v63  }
0xf3: {  	_ =	swait.ge [sflag:s19], $0x2400  }
0xf4: {  	s5 =	rddreg [dreg:$0x8];
	[sflag:s19] =	ssyncset.done $0x0  }
0xf5: {  	[sflag:s19] =	ssyncadd.s32 $0xFFFFDC00;
	s1 =	sadd.s32 $0x0, s5  }
0xf6: {  	[hbm4b:s1+s3] =	stream.linear.scatter [tilespmem:s11], [sflag:$0x5], $0x6400, $0x38;
	[tilespmem:$0x17440] =	vst v63  }
0xf7: {  	_ =	swait.ge [sflag:s20], $0x6400  }
0xf8: {  	s0 =	sld [smem:$0x7FA]  }
0xf9: {  	[sflag:s20] =	ssyncset.done $0x0  }
0xfa: {  	[sflag:s20] =	ssyncadd.s32 $0xFFFF9C00  }
0xfb: {  	[tilespmem:s11], [sflag:$0x1] =	stream.indirect.gather [spmem:s2], $0x80, s0, s10, $0xb8;
	[tilespmem:$0x17440] =	vst v63  }
0xfc: {  	_ =	swait.ge [sflag:s21], $0x4000  }
0xfd: {  	s5 =	sld [smem:$0x7FB]  }
0xfe: {  	[sflag:s21] =	ssyncset.done $0x0  }
0xff: {  	[sflag:s21] =	ssyncadd.s32 $0xFFFFC000  }
0x100: {  	[tilespmem:s14], [sflag:$0x2] =	stream.indirect.gather [spmem:s2], $0x80, s5, s12, $0xb8;
	[tilespmem:$0x17440] =	vst v63  }
0x101: {  	_ =	swait.ge [sflag:s22], $0x2400  }
0x102: {  	s0 =	rddreg [dreg:$0x7];
	[sflag:s22] =	ssyncset.done $0x0  }
0x103: {  	[sflag:s22] =	ssyncadd.s32 $0xFFFFDC00;
	s1 =	sadd.s32 $0x0, s0  }
0x104: {  	[hbm4b:s1+s3] =	stream.linear.scatter [tilespmem:s16], [sflag:$0x6], $0x6400, $0x38;
	[tilespmem:$0x17440] =	vst v63  }
0x105: {  	_ =	swait.ge [sflag:s23], $0x6400  }
0x106: {  	s5 =	sld [smem:$0x7FC]  }
0x107: {  	[sflag:s23] =	ssyncset.done $0x0  }
0x108: {  	[sflag:s23] =	ssyncadd.s32 $0xFFFF9C00  }
0x109: {  	[tilespmem:s16], [sflag:$0x3] =	stream.indirect.gather [spmem:s2], $0x80, s5, s10, $0xb8;
	[tilespmem:$0x17440] =	vst v63  }
0x10a: {  	_ =	swait.ge [sflag:s17], $0x4000  }
0x10b: {  	[sflag:s17] =	ssyncset.done $0x0  }
0x10c: {  	[sflag:s17] =	ssyncadd.s32 $0xFFFFC000  }
0x10d: {  	_ =	swait.ge [sflag:s25], $0x800  }
0x10e: {  	s0 =	sld [smem:$0x7FD]  }
0x10f: {  	[sflag:s25] =	ssyncset.done $0x0  }
0x110: {  	[sflag:s25] =	ssyncadd.s32 $0xFFFFF800  }
0x111: {  	[tilespmem:s18], [sflag:$0x4] =	stream.indirect.gather [spmem:s2], $0x80, s0, s12, $0xb8;
	[tilespmem:$0x17440] =	vst v63  }
0x112: {  	_ =	swait.ge [sflag:s19], $0x2400  }
0x113: {  	s5 =	rddreg [dreg:$0x6];
	[sflag:s19] =	ssyncset.done $0x0  }
0x114: {  	[sflag:s19] =	ssyncadd.s32 $0xFFFFDC00;
	s1 =	sadd.s32 $0x0, s5  }
0x115: {  	[hbm4b:s1+s3] =	stream.linear.scatter [tilespmem:s11], [sflag:$0x5], $0x6400, $0x38;
	[tilespmem:$0x17440] =	vst v63  }
0x116: {  	_ =	swait.ge [sflag:s20], $0x6400  }
0x117: {  	[sflag:s20] =	ssyncset.done $0x0  }
0x118: {  	[sflag:s20] =	ssyncadd.s32 $0xFFFF9C00  }
0x119: {  	[tilespmem:s11], [sflag:$0x1] =	stream.indirect.gather [spmem:s2], $0x80, s8, s10, $0xb8;
	[tilespmem:$0x17440] =	vst v63  }
0x11a: {  	_ =	swait.ge [sflag:s21], $0x4000  }
0x11b: {  	[sflag:s21] =	ssyncset.done $0x0  }
0x11c: {  	[sflag:s21] =	ssyncadd.s32 $0xFFFFC000  }
0x11d: {  	[tilespmem:s14], [sflag:$0x2] =	stream.indirect.gather [spmem:s2], $0x80, s13, s12, $0xb8;
	[tilespmem:$0x17440] =	vst v63  }
0x11e: {  	s30 =	simm.s32 $0x0;
	_ =	swait.ge [sflag:s22], $0x2400  }
0x11f: {  	s31 =	simm.s32 $0x1;
	s29 =	sadd.s32 $0x200, s6;
	[sflag:s22] =	ssyncset.done $0x0  }
0x120: {  	s28 =	simm.s32 $0xC800;
	s1 =	rddreg [dreg:$0x5];
	[sflag:s22] =	ssyncadd.s32 $0xFFFFDC00  }
.LBB2_2:
0x121: {  	s1 =	sadd.s32 s30, s1;
	s30 =	smov.u32 s28  }
0x122: {  	[hbm4b:s1+s3] =	stream.linear.scatter [tilespmem:s16], [sflag:$0x6], $0x6400, $0x38;
	[tilespmem:$0x17440] =	vst v63  }
0x123: {  	p2 =	seq.s32 s30, $0x0  }
0x124: {  	s1 =	simm.s32 @!p2 $0x6  }
0x125: {  	[tilespmem:s15], [sflag:$0x8] =	stream.linear.gather [hbm4b:s29+s3], $0x800, $0x38;
	[tilespmem:$0x17440] =	vst v63  }
0x126: {  	_ =	swait.ge @!p2 [sflag:s1], $0x6400  }
0x127: {  	[sflag:s1] =	ssyncset.done @!p2 $0x0  }
0x128: {  	s0 =	rddreg [dreg:$0x14];
	[sflag:s1] =	ssyncadd.s32 @!p2 $0xFFFF9C00  }
0x129: {  	[tilespmem:s16], [sflag:$0x3] =	stream.indirect.gather [spmem:s2], $0x80, s0, s10, $0xb8;
	[tilespmem:$0x17440] =	vst v63  }
0x12a: {  	_ =	swait.ge [sflag:s17], $0x4000  }
0x12b: {  	[sflag:s17] =	ssyncset.done $0x0  }
0x12c: {  	s5 =	rddreg [dreg:$0x15];
	[sflag:s17] =	ssyncadd.s32 $0xFFFFC000  }
0x12d: {  	[tilespmem:s18], [sflag:$0x4] =	stream.indirect.gather [spmem:s2], $0x80, s5, s12, $0xb8;
	[tilespmem:$0x17440] =	vst v63  }
0x12e: {  	_ =	swait.ge [sflag:s19], $0x2400  }
0x12f: {  	s1 =	rddreg [dreg:$0x13];
	[sflag:s19] =	ssyncset.done $0x0  }
0x130: {  	[sflag:s19] =	ssyncadd.s32 $0xFFFFDC00;
	s1 =	sadd.s32 s30, s1  }
0x131: {  	[hbm4b:s1+s3] =	stream.linear.scatter [tilespmem:s11], [sflag:$0x5], $0x6400, $0x38;
	[tilespmem:$0x17440] =	vst v63  }
0x132: {  	_ =	swait.ge [sflag:s20], $0x6400  }
0x133: {  	[sflag:s20] =	ssyncset.done $0x0  }
0x134: {  	s5 =	rddreg [dreg:$0x16];
	[sflag:s20] =	ssyncadd.s32 $0xFFFF9C00  }
0x135: {  	[tilespmem:s11], [sflag:$0x1] =	stream.indirect.gather [spmem:s2], $0x80, s5, s10, $0xb8;
	[tilespmem:$0x17440] =	vst v63  }
0x136: {  	_ =	swait.ge [sflag:s21], $0x4000  }
0x137: {  	[sflag:s21] =	ssyncset.done $0x0  }
0x138: {  	s5 =	rddreg [dreg:$0x17];
	[sflag:s21] =	ssyncadd.s32 $0xFFFFC000  }
0x139: {  	[tilespmem:s14], [sflag:$0x2] =	stream.indirect.gather [spmem:s2], $0x80, s5, s12, $0xb8;
	[tilespmem:$0x17440] =	vst v63  }
0x13a: {  	_ =	swait.ge [sflag:s22], $0x2400  }
0x13b: {  	s5 =	rddreg [dreg:$0x12];
	[sflag:s22] =	ssyncset.done $0x0  }
0x13c: {  	[sflag:s22] =	ssyncadd.s32 $0xFFFFDC00;
	s0 =	sadd.s32 s30, s5  }
0x13d: {  	[hbm4b:s0+s3] =	stream.linear.scatter [tilespmem:s16], [sflag:$0x6], $0x6400, $0x38;
	[tilespmem:$0x17440] =	vst v63  }
0x13e: {  	_ =	swait.ge [sflag:s23], $0x6400  }
0x13f: {  	[sflag:s23] =	ssyncset.done $0x0  }
0x140: {  	s5 =	rddreg [dreg:$0x18];
	[sflag:s23] =	ssyncadd.s32 $0xFFFF9C00  }
0x141: {  	[tilespmem:s16], [sflag:$0x3] =	stream.indirect.gather [spmem:s2], $0x80, s5, s10, $0xb8;
	[tilespmem:$0x17440] =	vst v63  }
0x142: {  	_ =	swait.ge [sflag:s17], $0x4000  }
0x143: {  	[sflag:s17] =	ssyncset.done $0x0  }
0x144: {  	s5 =	rddreg [dreg:$0x19];
	[sflag:s17] =	ssyncadd.s32 $0xFFFFC000  }
0x145: {  	[tilespmem:s18], [sflag:$0x4] =	stream.indirect.gather [spmem:s2], $0x80, s5, s12, $0xb8;
	[tilespmem:$0x17440] =	vst v63  }
0x146: {  	_ =	swait.ge [sflag:s19], $0x2400  }
0x147: {  	s5 =	rddreg [dreg:$0x11];
	[sflag:s19] =	ssyncset.done $0x0  }
0x148: {  	[sflag:s19] =	ssyncadd.s32 $0xFFFFDC00;
	s0 =	sadd.s32 s30, s5  }
0x149: {  	[hbm4b:s0+s3] =	stream.linear.scatter [tilespmem:s11], [sflag:$0x5], $0x6400, $0x38;
	[tilespmem:$0x17440] =	vst v63  }
0x14a: {  	_ =	swait.ge [sflag:s20], $0x6400  }
0x14b: {  	[sflag:s20] =	ssyncset.done $0x0  }
0x14c: {  	s5 =	rddreg [dreg:$0x1a];
	[sflag:s20] =	ssyncadd.s32 $0xFFFF9C00  }
0x14d: {  	[tilespmem:s11], [sflag:$0x1] =	stream.indirect.gather [spmem:s2], $0x80, s5, s10, $0xb8;
	[tilespmem:$0x17440] =	vst v63  }
0x14e: {  	_ =	swait.ge [sflag:s21], $0x4000  }
0x14f: {  	[sflag:s21] =	ssyncset.done $0x0  }
0x150: {  	s5 =	rddreg [dreg:$0x1b];
	[sflag:s21] =	ssyncadd.s32 $0xFFFFC000  }
0x151: {  	[tilespmem:s14], [sflag:$0x2] =	stream.indirect.gather [spmem:s2], $0x80, s5, s12, $0xb8;
	[tilespmem:$0x17440] =	vst v63  }
0x152: {  	_ =	swait.ge [sflag:s22], $0x2400  }
0x153: {  	s5 =	rddreg [dreg:$0x10];
	[sflag:s22] =	ssyncset.done $0x0  }
0x154: {  	[sflag:s22] =	ssyncadd.s32 $0xFFFFDC00;
	s0 =	sadd.s32 s30, s5  }
0x155: {  	[hbm4b:s0+s3] =	stream.linear.scatter [tilespmem:s16], [sflag:$0x6], $0x6400, $0x38;
	[tilespmem:$0x17440] =	vst v63  }
0x156: {  	_ =	swait.ge [sflag:s23], $0x6400  }
0x157: {  	[sflag:s23] =	ssyncset.done $0x0  }
0x158: {  	s5 =	rddreg [dreg:$0x1c];
	[sflag:s23] =	ssyncadd.s32 $0xFFFF9C00  }
0x159: {  	[tilespmem:s16], [sflag:$0x3] =	stream.indirect.gather [spmem:s2], $0x80, s5, s10, $0xb8;
	[tilespmem:$0x17440] =	vst v63  }
0x15a: {  	_ =	swait.ge [sflag:s17], $0x4000  }
0x15b: {  	[sflag:s17] =	ssyncset.done $0x0  }
0x15c: {  	s5 =	rddreg [dreg:$0x1d];
	[sflag:s17] =	ssyncadd.s32 $0xFFFFC000  }
0x15d: {  	[tilespmem:s18], [sflag:$0x4] =	stream.indirect.gather [spmem:s2], $0x80, s5, s12, $0xb8;
	[tilespmem:$0x17440] =	vst v63  }
0x15e: {  	_ =	swait.ge [sflag:s19], $0x2400  }
0x15f: {  	s5 =	rddreg [dreg:$0xf];
	[sflag:s19] =	ssyncset.done $0x0  }
0x160: {  	[sflag:s19] =	ssyncadd.s32 $0xFFFFDC00;
	s0 =	sadd.s32 s30, s5  }
0x161: {  	[hbm4b:s0+s3] =	stream.linear.scatter [tilespmem:s11], [sflag:$0x5], $0x6400, $0x38;
	[tilespmem:$0x17440] =	vst v63  }
0x162: {  	_ =	swait.ge [sflag:s20], $0x6400  }
0x163: {  	[sflag:s20] =	ssyncset.done $0x0  }
0x164: {  	s5 =	rddreg [dreg:$0x1e];
	[sflag:s20] =	ssyncadd.s32 $0xFFFF9C00  }
0x165: {  	[tilespmem:s11], [sflag:$0x1] =	stream.indirect.gather [spmem:s2], $0x80, s5, s10, $0xb8;
	[tilespmem:$0x17440] =	vst v63  }
0x166: {  	_ =	swait.ge [sflag:s21], $0x4000  }
0x167: {  	[sflag:s21] =	ssyncset.done $0x0  }
0x168: {  	s5 =	rddreg [dreg:$0x1f];
	[sflag:s21] =	ssyncadd.s32 $0xFFFFC000  }
0x169: {  	[tilespmem:s14], [sflag:$0x2] =	stream.indirect.gather [spmem:s2], $0x80, s5, s12, $0xb8;
	[tilespmem:$0x17440] =	vst v63  }
0x16a: {  	_ =	swait.ge [sflag:s22], $0x2400  }
0x16b: {  	s5 =	rddreg [dreg:$0xe];
	[sflag:s22] =	ssyncset.done $0x0  }
0x16c: {  	[sflag:s22] =	ssyncadd.s32 $0xFFFFDC00;
	s0 =	sadd.s32 s30, s5  }
0x16d: {  	[hbm4b:s0+s3] =	stream.linear.scatter [tilespmem:s16], [sflag:$0x6], $0x6400, $0x38;
	[tilespmem:$0x17440] =	vst v63  }
0x16e: {  	_ =	swait.ge [sflag:s23], $0x6400  }
0x16f: {  	s5 =	sld [smem:$0x7ED]  }
0x170: {  	[sflag:s23] =	ssyncset.done $0x0  }
0x171: {  	[sflag:s23] =	ssyncadd.s32 $0xFFFF9C00  }
0x172: {  	[tilespmem:s16], [sflag:$0x3] =	stream.indirect.gather [spmem:s2], $0x80, s5, s10, $0xb8;
	[tilespmem:$0x17440] =	vst v63  }
0x173: {  	_ =	swait.ge [sflag:s17], $0x4000  }
0x174: {  	[sflag:s17] =	ssyncset.done $0x0  }
0x175: {  	[sflag:s17] =	ssyncadd.s32 $0xFFFFC000  }
0x176: {  	_ =	swait.ge [sflag:s24], $0x800  }
0x177: {  	s5 =	sld [smem:$0x7EE]  }
0x178: {  	[sflag:s24] =	ssyncset.done $0x0  }
0x179: {  	[sflag:s24] =	ssyncadd.s32 $0xFFFFF800  }
0x17a: {  	[tilespmem:s18], [sflag:$0x4] =	stream.indirect.gather [spmem:s2], $0x80, s5, s12, $0xb8;
	[tilespmem:$0x17440] =	vst v63  }
0x17b: {  	_ =	swait.ge [sflag:s19], $0x2400  }
0x17c: {  	s5 =	rddreg [dreg:$0xd];
	[sflag:s19] =	ssyncset.done $0x0  }
0x17d: {  	[sflag:s19] =	ssyncadd.s32 $0xFFFFDC00;
	s0 =	sadd.s32 s30, s5  }
0x17e: {  	[hbm4b:s0+s3] =	stream.linear.scatter [tilespmem:s11], [sflag:$0x5], $0x6400, $0x38;
	[tilespmem:$0x17440] =	vst v63  }
0x17f: {  	_ =	swait.ge [sflag:s20], $0x6400  }
0x180: {  	[sflag:s20] =	ssyncset.done $0x0  }
0x181: {  	[sflag:s20] =	ssyncadd.s32 $0xFFFF9C00  }
0x182: {  	[tilespmem:s11], [sflag:$0x1] =	stream.indirect.gather [spmem:s2], $0x80, s15, s10, $0xb8;
	[tilespmem:$0x17440] =	vst v63  }
0x183: {  	_ =	swait.ge [sflag:s21], $0x4000  }
0x184: {  	s5 =	sld [smem:$0x7EF]  }
0x185: {  	[sflag:s21] =	ssyncset.done $0x0  }
0x186: {  	[sflag:s21] =	ssyncadd.s32 $0xFFFFC000  }
0x187: {  	[tilespmem:s14], [sflag:$0x2] =	stream.indirect.gather [spmem:s2], $0x80, s5, s12, $0xb8;
	[tilespmem:$0x17440] =	vst v63  }
0x188: {  	s31 =	sadd.s32 $0x1, s31;
	_ =	swait.ge [sflag:s22], $0x2400  }
0x189: {  	s5 =	smin.u32 s31, $0x1F;
	s0 =	rddreg [dreg:$0xc];
	[sflag:s22] =	ssyncset.done $0x0  }
0x18a: {  	s5 =	sshll.u32 s5, $0x9;
	[sflag:s22] =	ssyncadd.s32 $0xFFFFDC00;
	s0 =	sadd.s32 s30, s0  }
0x18b: {  	[hbm4b:s0+s3] =	stream.linear.scatter [tilespmem:s16], [sflag:$0x6], $0x6400, $0x38;
	[tilespmem:$0x17440] =	vst v63  }
0x18c: {  	s5 =	sadd.s32 s5, s4  }
0x18d: {  	[tilespmem:s8], [sflag:$0x7] =	stream.linear.gather [hbm4b:s5+s3], $0x800, $0x38;
	[tilespmem:$0x17440] =	vst v63  }
0x18e: {  	_ =	swait.ge [sflag:s23], $0x6400  }
0x18f: {  	s5 =	sld [smem:$0x7F0]  }
0x190: {  	[sflag:s23] =	ssyncset.done $0x0  }
0x191: {  	[sflag:s23] =	ssyncadd.s32 $0xFFFF9C00  }
0x192: {  	[tilespmem:s16], [sflag:$0x3] =	stream.indirect.gather [spmem:s2], $0x80, s5, s10, $0xb8;
	[tilespmem:$0x17440] =	vst v63  }
0x193: {  	_ =	swait.ge [sflag:s17], $0x4000  }
0x194: {  	s5 =	sld [smem:$0x7F1]  }
0x195: {  	[sflag:s17] =	ssyncset.done $0x0  }
0x196: {  	[sflag:s17] =	ssyncadd.s32 $0xFFFFC000  }
0x197: {  	[tilespmem:s18], [sflag:$0x4] =	stream.indirect.gather [spmem:s2], $0x80, s5, s12, $0xb8;
	[tilespmem:$0x17440] =	vst v63  }
0x198: {  	_ =	swait.ge [sflag:s19], $0x2400  }
0x199: {  	[sflag:s19] =	ssyncset.done $0x0  }
0x19a: {  	s5 =	sadd.s32 $0x6400, s1;
	[sflag:s19] =	ssyncadd.s32 $0xFFFFDC00  }
0x19b: {  	[hbm4b:s5+s3] =	stream.linear.scatter [tilespmem:s11], [sflag:$0x5], $0x6400, $0x38;
	[tilespmem:$0x17440] =	vst v63  }
0x19c: {  	_ =	swait.ge [sflag:s20], $0x6400  }
0x19d: {  	s1 =	sld [smem:$0x7F2]  }
0x19e: {  	[sflag:s20] =	ssyncset.done $0x0  }
0x19f: {  	[sflag:s20] =	ssyncadd.s32 $0xFFFF9C00  }
0x1a0: {  	[tilespmem:s11], [sflag:$0x1] =	stream.indirect.gather [spmem:s2], $0x80, s1, s10, $0xb8;
	[tilespmem:$0x17440] =	vst v63  }
0x1a1: {  	_ =	swait.ge [sflag:s21], $0x4000  }
0x1a2: {  	s5 =	sld [smem:$0x7F3]  }
0x1a3: {  	[sflag:s21] =	ssyncset.done $0x0  }
0x1a4: {  	[sflag:s21] =	ssyncadd.s32 $0xFFFFC000  }
0x1a5: {  	[tilespmem:s14], [sflag:$0x2] =	stream.indirect.gather [spmem:s2], $0x80, s5, s12, $0xb8;
	[tilespmem:$0x17440] =	vst v63  }
0x1a6: {  	_ =	swait.ge [sflag:s22], $0x2400  }
0x1a7: {  	s1 =	rddreg [dreg:$0xb];
	[sflag:s22] =	ssyncset.done $0x0  }
0x1a8: {  	[sflag:s22] =	ssyncadd.s32 $0xFFFFDC00;
	s0 =	sadd.s32 s30, s1  }
0x1a9: {  	[hbm4b:s0+s3] =	stream.linear.scatter [tilespmem:s16], [sflag:$0x6], $0x6400, $0x38;
	[tilespmem:$0x17440] =	vst v63  }
0x1aa: {  	_ =	swait.ge [sflag:s23], $0x6400  }
0x1ab: {  	s5 =	sld [smem:$0x7F4]  }
0x1ac: {  	[sflag:s23] =	ssyncset.done $0x0  }
0x1ad: {  	[sflag:s23] =	ssyncadd.s32 $0xFFFF9C00  }
0x1ae: {  	[tilespmem:s16], [sflag:$0x3] =	stream.indirect.gather [spmem:s2], $0x80, s5, s10, $0xb8;
	[tilespmem:$0x17440] =	vst v63  }
0x1af: {  	_ =	swait.ge [sflag:s17], $0x4000  }
0x1b0: {  	s1 =	sld [smem:$0x7F5]  }
0x1b1: {  	[sflag:s17] =	ssyncset.done $0x0  }
0x1b2: {  	[sflag:s17] =	ssyncadd.s32 $0xFFFFC000  }
0x1b3: {  	[tilespmem:s18], [sflag:$0x4] =	stream.indirect.gather [spmem:s2], $0x80, s1, s12, $0xb8;
	[tilespmem:$0x17440] =	vst v63  }
0x1b4: {  	_ =	swait.ge [sflag:s19], $0x2400  }
0x1b5: {  	s5 =	rddreg [dreg:$0xa];
	[sflag:s19] =	ssyncset.done $0x0  }
0x1b6: {  	[sflag:s19] =	ssyncadd.s32 $0xFFFFDC00;
	s0 =	sadd.s32 s30, s5  }
0x1b7: {  	[hbm4b:s0+s3] =	stream.linear.scatter [tilespmem:s11], [sflag:$0x5], $0x6400, $0x38;
	[tilespmem:$0x17440] =	vst v63  }
0x1b8: {  	_ =	swait.ge [sflag:s20], $0x6400  }
0x1b9: {  	s1 =	sld [smem:$0x7F6]  }
0x1ba: {  	[sflag:s20] =	ssyncset.done $0x0  }
0x1bb: {  	[sflag:s20] =	ssyncadd.s32 $0xFFFF9C00  }
0x1bc: {  	[tilespmem:s11], [sflag:$0x1] =	stream.indirect.gather [spmem:s2], $0x80, s1, s10, $0xb8;
	[tilespmem:$0x17440] =	vst v63  }
0x1bd: {  	_ =	swait.ge [sflag:s21], $0x4000  }
0x1be: {  	s5 =	sld [smem:$0x7F7]  }
0x1bf: {  	[sflag:s21] =	ssyncset.done $0x0  }
0x1c0: {  	[sflag:s21] =	ssyncadd.s32 $0xFFFFC000  }
0x1c1: {  	[tilespmem:s14], [sflag:$0x2] =	stream.indirect.gather [spmem:s2], $0x80, s5, s12, $0xb8;
	[tilespmem:$0x17440] =	vst v63  }
0x1c2: {  	_ =	swait.ge [sflag:s22], $0x2400  }
0x1c3: {  	s1 =	rddreg [dreg:$0x9];
	[sflag:s22] =	ssyncset.done $0x0  }
0x1c4: {  	[sflag:s22] =	ssyncadd.s32 $0xFFFFDC00;
	s0 =	sadd.s32 s30, s1  }
0x1c5: {  	[hbm4b:s0+s3] =	stream.linear.scatter [tilespmem:s16], [sflag:$0x6], $0x6400, $0x38;
	[tilespmem:$0x17440] =	vst v63  }
0x1c6: {  	_ =	swait.ge [sflag:s23], $0x6400  }
0x1c7: {  	s5 =	sld [smem:$0x7F8]  }
0x1c8: {  	[sflag:s23] =	ssyncset.done $0x0  }
0x1c9: {  	[sflag:s23] =	ssyncadd.s32 $0xFFFF9C00  }
0x1ca: {  	[tilespmem:s16], [sflag:$0x3] =	stream.indirect.gather [spmem:s2], $0x80, s5, s10, $0xb8;
	[tilespmem:$0x17440] =	vst v63  }
0x1cb: {  	_ =	swait.ge [sflag:s17], $0x4000  }
0x1cc: {  	s1 =	sld [smem:$0x7F9]  }
0x1cd: {  	[sflag:s17] =	ssyncset.done $0x0  }
0x1ce: {  	[sflag:s17] =	ssyncadd.s32 $0xFFFFC000  }
0x1cf: {  	[tilespmem:s18], [sflag:$0x4] =	stream.indirect.gather [spmem:s2], $0x80, s1, s12, $0xb8;
	[tilespmem:$0x17440] =	vst v63  }
0x1d0: {  	_ =	swait.ge [sflag:s19], $0x2400  }
0x1d1: {  	s5 =	rddreg [dreg:$0x8];
	[sflag:s19] =	ssyncset.done $0x0  }
0x1d2: {  	[sflag:s19] =	ssyncadd.s32 $0xFFFFDC00;
	s0 =	sadd.s32 s30, s5  }
0x1d3: {  	[hbm4b:s0+s3] =	stream.linear.scatter [tilespmem:s11], [sflag:$0x5], $0x6400, $0x38;
	[tilespmem:$0x17440] =	vst v63  }
0x1d4: {  	_ =	swait.ge [sflag:s20], $0x6400  }
0x1d5: {  	s1 =	sld [smem:$0x7FA]  }
0x1d6: {  	[sflag:s20] =	ssyncset.done $0x0  }
0x1d7: {  	[sflag:s20] =	ssyncadd.s32 $0xFFFF9C00  }
0x1d8: {  	[tilespmem:s11], [sflag:$0x1] =	stream.indirect.gather [spmem:s2], $0x80, s1, s10, $0xb8;
	[tilespmem:$0x17440] =	vst v63  }
0x1d9: {  	_ =	swait.ge [sflag:s21], $0x4000  }
0x1da: {  	s5 =	sld [smem:$0x7FB]  }
0x1db: {  	[sflag:s21] =	ssyncset.done $0x0  }
0x1dc: {  	[sflag:s21] =	ssyncadd.s32 $0xFFFFC000  }
0x1dd: {  	[tilespmem:s14], [sflag:$0x2] =	stream.indirect.gather [spmem:s2], $0x80, s5, s12, $0xb8;
	[tilespmem:$0x17440] =	vst v63  }
0x1de: {  	_ =	swait.ge [sflag:s22], $0x2400  }
0x1df: {  	s1 =	rddreg [dreg:$0x7];
	[sflag:s22] =	ssyncset.done $0x0  }
0x1e0: {  	[sflag:s22] =	ssyncadd.s32 $0xFFFFDC00;
	s0 =	sadd.s32 s30, s1  }
0x1e1: {  	[hbm4b:s0+s3] =	stream.linear.scatter [tilespmem:s16], [sflag:$0x6], $0x6400, $0x38;
	[tilespmem:$0x17440] =	vst v63  }
0x1e2: {  	_ =	swait.ge [sflag:s23], $0x6400  }
0x1e3: {  	s5 =	sld [smem:$0x7FC]  }
0x1e4: {  	[sflag:s23] =	ssyncset.done $0x0  }
0x1e5: {  	[sflag:s23] =	ssyncadd.s32 $0xFFFF9C00  }
0x1e6: {  	[tilespmem:s16], [sflag:$0x3] =	stream.indirect.gather [spmem:s2], $0x80, s5, s10, $0xb8;
	[tilespmem:$0x17440] =	vst v63  }
0x1e7: {  	_ =	swait.ge [sflag:s17], $0x4000  }
0x1e8: {  	[sflag:s17] =	ssyncset.done $0x0  }
0x1e9: {  	[sflag:s17] =	ssyncadd.s32 $0xFFFFC000  }
0x1ea: {  	_ =	swait.ge [sflag:s25], $0x800  }
0x1eb: {  	s1 =	sld [smem:$0x7FD]  }
0x1ec: {  	[sflag:s25] =	ssyncset.done $0x0  }
0x1ed: {  	[sflag:s25] =	ssyncadd.s32 $0xFFFFF800  }
0x1ee: {  	[tilespmem:s18], [sflag:$0x4] =	stream.indirect.gather [spmem:s2], $0x80, s1, s12, $0xb8;
	[tilespmem:$0x17440] =	vst v63  }
0x1ef: {  	_ =	swait.ge [sflag:s19], $0x2400  }
0x1f0: {  	s5 =	rddreg [dreg:$0x6];
	[sflag:s19] =	ssyncset.done $0x0  }
0x1f1: {  	[sflag:s19] =	ssyncadd.s32 $0xFFFFDC00;
	s0 =	sadd.s32 s30, s5  }
0x1f2: {  	[hbm4b:s0+s3] =	stream.linear.scatter [tilespmem:s11], [sflag:$0x5], $0x6400, $0x38;
	[tilespmem:$0x17440] =	vst v63  }
0x1f3: {  	_ =	swait.ge [sflag:s20], $0x6400  }
0x1f4: {  	[sflag:s20] =	ssyncset.done $0x0  }
0x1f5: {  	[sflag:s20] =	ssyncadd.s32 $0xFFFF9C00  }
0x1f6: {  	[tilespmem:s11], [sflag:$0x1] =	stream.indirect.gather [spmem:s2], $0x80, s8, s10, $0xb8;
	[tilespmem:$0x17440] =	vst v63  }
0x1f7: {  	s28 =	sadd.s32 $0xC800, s28;
	_ =	swait.ge [sflag:s21], $0x4000  }
0x1f8: {  	p1 =	sne.s32 s28, $0x190000;
	[sflag:s21] =	ssyncset.done $0x0  }
.Ltmp0:
0x1f9: {  	[sflag:s21] =	ssyncadd.s32 $0xFFFFC000;
	(pc) =	sbr.rel @p1 .LBB2_2-.Ltmp0, $4  }
0x1fa: {  	[tilespmem:s14], [sflag:$0x2] =	stream.indirect.gather [spmem:s2], $0x80, s13, s12, $0xb8;
	[tilespmem:$0x17440] =	vst v63  }
0x1fb: {  	_ =	swait.ge [sflag:s22], $0x2400  }
0x1fc: {  	[sflag:s22] =	ssyncset.done $0x0  }
0x1fd: {  	s29 =	sadd.s32 $0x200, s29;
	s1 =	rddreg [dreg:$0x5];
	[sflag:s22] =	ssyncadd.s32 $0xFFFFDC00  }
0x1fe: {  	s0 =	sadd.s32 s30, s1  }
0x1ff: {  	[hbm4b:s0+s3] =	stream.linear.scatter [tilespmem:s16], [sflag:$0x6], $0x6400, $0x38;
	[tilespmem:$0x17440] =	vst v63  }
0x200: {  	_ =	swait.ge [sflag:s17], $0x4000  }
0x201: {  	[sflag:s17] =	ssyncset.done $0x0  }
0x202: {  	[sflag:s17] =	ssyncadd.s32 $0xFFFFC000  }
0x203: {  	_ =	swait.ge [sflag:s19], $0x2400  }
0x204: {  	[sflag:s19] =	ssyncset.done $0x0  }
0x205: {  	[sflag:s19] =	ssyncadd.s32 $0xFFFFDC00  }
0x206: {  	_ =	swait.ge [sflag:s23], $0x6400  }
0x207: {  	s31 =	sld [smem:$0x7EC];
	_ =	sdelay $0x1  }
0x208: {  	s26 =	sadd.s32 $0x1, s26  }
0x209: {  	p1 =	sne.s32 s26, s31  }
.Ltmp1:
0x20a: {  	_ = 	snop;
	(pc) =	sbr.rel @p1 .LBB2_1-.Ltmp1, $3  }
0x20b: {  	_ =	sdelay $0x1  }
0x20c: {  	[sflag:s23] =	ssyncset.done $0x0  }
0x20d: {  	[sflag:s23] =	ssyncadd.s32 $0xFFFF9C00  }
0x20e: {  	_ =	sfence.sel $0x180000  }
0x20f: {  	[bflag:$0x0] =	sbarrier.arrive $0xFFFF  }
0x210: {  	_ =	strace $0x90000047  }
0x211: {  	[bflag:$0x2] =	sbarrier.arrive $0xFFFF  }
0x212: {  	s0 =	rddreg [dreg:$0x4]  }
0x213: {  	s0 =	sadd.s32 @!p0 $0x100000, s0  }
0x214: {  	[sflag:s0] =	ssyncadd.tile.s32 @!p0 $0x1;
	_ =	shalt  }
.Lfunc_end2:
_tile_overlayer_lowered:
.L_overlay_start_2:
0x215: {  	(tag) =	ssettag $0x2  }
0x216: {  	s0 =	rddreg [dreg:$0x0];
	s2 =	stileid.u32  }
0x217: {  	s1 =	rddreg [dreg:$0x1];
	p0 =	sne.s32 s2, $0x0  }
0x218: {  	s3 =	rddreg [dreg:$0x2];
	[bflag:$0x3] =	sbarrier.arrive $0xFFFF;
	s2 =	simm.s32 @!p0 $0x1C09  }
0x219: {  	[timem:s3], [sflag:s2] =	dma.local @!p0 [hbm:s0], s1  }
0x21a: {  	s0 =	simm.s32 @!p0 $0x9  }
0x21b: {  	_ =	swait.ge @!p0 [sflag:s0], s1  }
0x21c: {  	s1 =	ssub.s32 @!p0 $0x0, s1;
	[sflag:s0] =	ssyncset.done @!p0 $0x0  }
0x21d: {  	[sflag:s0] =	ssyncadd.s32 @!p0 s1  }
0x21e: {  	[bflag:$0x3] =	sbarrier.arrive $0xFFFF  }
0x21f: {  	_ =	shalt  }

</sc_bundles>
